<compile_context>
chip_gen: v7x
topology: tpu7x:2x2x1
jax: 0.10.2.dev20260603
libtpu: 0.0.44.dev20260713+nightly
codegen_flags: <defaults>
</compile_context>

<pallas_src>
import functools

import jax
import jax.numpy as jnp
from jax import lax
from jax.experimental import pallas as pl
from jax.experimental.pallas import tpu as pltpu
from jax.experimental.pallas import tpu_sc as plsc

B = 16
H = 12
HW = 6
P = 576
VOTES = 8
TOPK = 12
CONVPAD = 608
KPAD = 592
BIG = 1 << 20


def _sc_body(x_hbm, idx_out, cnt_out, sbuf, vbuf, vbuf2, pbuf, obuf, kbuf,
             ibuf, shared):
    lanes = lax.iota(jnp.int32, 16)
    zeros16 = jnp.zeros((16,), jnp.int32)
    s_id = lax.axis_index("s")
    c_id = lax.axis_index("c")
    sm = c_id * 8 + (s_id >> 1)
    g = s_id & 1
    neg = jnp.full((16,), -2.0, jnp.float32)
    bigv = jnp.full((16,), BIG, jnp.int32)

    off = pl.multiple_of((sm * 2 + g) * (HW * P), 16)
    pltpu.sync_copy(x_hbm.at[pl.ds(off, HW * P)], sbuf)

    def extract_one(rbv, t, vmax, vidx, vreg):
        m = jnp.max(vmax)
        p = jnp.min(jnp.where(vmax == m, vidx, bigv)
                    .astype(jnp.uint32)).astype(jnp.int32) + zeros16
        vreg = jnp.where(lanes == t, p, vreg)
        plsc.store_scatter(sbuf, [rbv + p], neg, mask=lanes == 0)
        l = p & 15
        j0 = l + 16 * lanes
        j1 = j0 + 256
        j2 = jnp.minimum(j0 + 512, P - 1)
        g0 = plsc.load_gather(sbuf, [rbv + j0])
        g1 = plsc.load_gather(sbuf, [rbv + j1])
        g2 = jnp.where(lanes < 4, plsc.load_gather(sbuf, [rbv + j2]), neg)
        lm = jnp.max(jnp.maximum(jnp.maximum(g0, g1), g2))
        p0 = jnp.where(g0 == lm, j0, bigv)
        p1 = jnp.where(g1 == lm, j1, bigv)
        p2 = jnp.where(g2 == lm, j2, bigv)
        lp = jnp.min(jnp.minimum(jnp.minimum(p0, p1), p2)
                     .astype(jnp.uint32)).astype(jnp.int32) + zeros16
        lmask = lanes == l
        vmax = jnp.where(lmask, lm, vmax)
        vidx = jnp.where(lmask, lp, vidx)
        return vmax, vidx, vreg

    def pair_body(hp, _):
        rbA = pl.multiple_of(hp * (2 * P), 16)
        rbB = pl.multiple_of(hp * (2 * P) + P, 16)
        rbvA = jnp.full((16,), rbA, jnp.int32)
        rbvB = jnp.full((16,), rbB, jnp.int32)

        def scan_chunk(ci, carry):
            vmaxA, vidxA, vmaxB, vidxB = carry
            pos = ci * 16 + lanes
            vA = sbuf[pl.ds(rbA + ci * 16, 16)]
            vB = sbuf[pl.ds(rbB + ci * 16, 16)]
            gtA = vA > vmaxA
            gtB = vB > vmaxB
            return (jnp.where(gtA, vA, vmaxA), jnp.where(gtA, pos, vidxA),
                    jnp.where(gtB, vB, vmaxB), jnp.where(gtB, pos, vidxB))

        neg3 = jnp.full((16,), -3.0, jnp.float32)
        vmaxA, vidxA, vmaxB, vidxB = lax.fori_loop(
            0, P // 16, scan_chunk, (neg3, zeros16, neg3, zeros16))

        def extract(t, carry):
            vmaxA, vidxA, vregA, vmaxB, vidxB, vregB = carry
            vmaxA, vidxA, vregA = extract_one(rbvA, t, vmaxA, vidxA, vregA)
            vmaxB, vidxB, vregB = extract_one(rbvB, t, vmaxB, vidxB, vregB)
            return vmaxA, vidxA, vregA, vmaxB, vidxB, vregB

        carry = (vmaxA, vidxA, zeros16, vmaxB, vidxB, zeros16)
        for t in range(VOTES):
            carry = extract(t, carry)
        _, _, vregA, _, _, vregB = carry
        vb = pl.multiple_of(hp * 32, 16)
        vbuf[pl.ds(vb, 16)] = vregA
        vbuf[pl.ds(vb + 16, 16)] = vregB
        return 0

    lax.fori_loop(0, HW // 2, pair_body, 0)

    pltpu.sync_copy(vbuf, shared.at[pl.ds(pl.multiple_of(s_id * 96, 16), 96)])
    plsc.subcore_barrier()

    @pl.when(g == 0)
    def _():
        b = sm
        pltpu.sync_copy(
            shared.at[pl.ds(pl.multiple_of((s_id + 1) * 96, 16), 96)], vbuf2)

        def zero_chunk(ci, _):
            pbuf[pl.ds(ci * 16, 16)] = jnp.zeros((16,), jnp.float32)
            return 0

        lax.fori_loop(0, CONVPAD // 16, zero_chunk, 0)

        ones = jnp.ones((16,), jnp.float32)

        def scat(h, _):
            hb = pl.multiple_of(h * 16, 16)
            vv = vbuf[pl.ds(hb, 16)]
            plsc.addupdate_scatter(pbuf, [vv + 1], ones, mask=lanes < VOTES)
            vv2 = vbuf2[pl.ds(hb, 16)]
            plsc.addupdate_scatter(pbuf, [vv2 + 1], ones, mask=lanes < VOTES)
            return 0

        lax.fori_loop(0, HW, scat, 0)

        def conv_chunk(ci, _):
            base = ci * 16
            left = pbuf[pl.ds(base, 16)]
            ctr = plsc.load_gather(pbuf, [base + 1 + lanes])
            right = plsc.load_gather(pbuf, [base + 2 + lanes])
            o = left + 2.0 * ctr + right
            obuf[pl.ds(base, 16)] = o
            kbuf[pl.ds(base, 16)] = (
                o.astype(jnp.int32) * 1024 + (1023 - (base + lanes)))
            return 0

        lax.fori_loop(0, P // 16, conv_chunk, 0)
        kbuf[pl.ds(P, 16)] = jnp.zeros((16,), jnp.int32)

        def kscan(ci, vk):
            return jnp.maximum(vk, kbuf[pl.ds(ci * 16, 16)])

        vk = lax.fori_loop(0, P // 16, kscan, jnp.zeros((16,), jnp.int32))

        def sel(t, carry):
            vk, ireg = carry
            gk = jnp.max(vk.astype(jnp.uint32)).astype(jnp.int32) + zeros16
            i = 1023 - (gk & 1023)
            ireg = jnp.where(lanes == t, i + 1, ireg)
            plsc.store_scatter(kbuf, [i], jnp.zeros((16,), jnp.int32),
                               mask=lanes == 0)
            l = i & 15
            j0 = l + 16 * lanes
            j1 = j0 + 256
            j2 = jnp.minimum(j0 + 512, KPAD - 1)
            g0 = plsc.load_gather(kbuf, [j0])
            g1 = plsc.load_gather(kbuf, [j1])
            g2 = plsc.load_gather(kbuf, [j2])
            lm = jnp.max(jnp.maximum(jnp.maximum(g0, g1), g2)
                         .astype(jnp.uint32)).astype(jnp.int32) + zeros16
            vk = jnp.where(lanes == l, lm, vk)
            return vk, ireg

        _, ireg = lax.fori_loop(0, TOPK, sel,
                                (vk, jnp.zeros((16,), jnp.int32)))
        ibuf[pl.ds(0, 16)] = ireg

        pltpu.sync_copy(ibuf.at[pl.ds(0, 16)],
                        idx_out.at[pl.ds(pl.multiple_of(b * 16, 16), 16)])
        pltpu.sync_copy(obuf.at[pl.ds(0, P)],
                        cnt_out.at[pl.ds(pl.multiple_of(b * P, 16), P)])


_mhv_sc = functools.partial(
    pl.kernel,
    out_type=(jax.ShapeDtypeStruct((B * 16,), jnp.int32),
              jax.ShapeDtypeStruct((B * P,), jnp.float32)),
    mesh=plsc.VectorSubcoreMesh(core_axis_name="c", subcore_axis_name="s"),
    compiler_params=pltpu.CompilerParams(needs_layout_passes=False),
    scratch_types=[
        pltpu.VMEM((HW * P,), jnp.float32),
        pltpu.VMEM((HW * 16,), jnp.int32),
        pltpu.VMEM((HW * 16,), jnp.int32),
        pltpu.VMEM((CONVPAD,), jnp.float32),
        pltpu.VMEM((KPAD,), jnp.float32),
        pltpu.VMEM((KPAD,), jnp.int32),
        pltpu.VMEM((16,), jnp.int32),
        pltpu.VMEM_SHARED((16 * 96,), jnp.int32),
    ],
)(_sc_body)


def kernel(x, select_num):
    score = x[:, :, 0, 1:]
    idx_flat, cnt_flat = _mhv_sc(jnp.reshape(score, (-1,)))
    idx = jnp.reshape(idx_flat, (B, 16))[:, :TOPK]
    cnt = jnp.reshape(cnt_flat, (B, P))
    col = jnp.minimum(jnp.arange(TOPK), jnp.asarray(select_num, jnp.int32) - 1)
    return jnp.take(idx, col, axis=1), cnt

# --- scband reference (transcript-rebuilt; emitter-appended) ---
"""Pipeline reference for scband-multi-head-voting-66340064854615 (READ-ONLY COPY).

The authoritative reference and input builder live on the scoring server;
editing this copy changes nothing except your own understanding.
"""

import jax, jax.numpy as jnp
import numpy as np

NUM_HEADS = 12
VOTE_PERHEAD = 8
SELECT_NUM = 12


def setup_inputs(seed: int = 0) -> dict:
    key = jax.random.key(seed)
    x = jax.random.uniform(key, (16, NUM_HEADS, 577, 577), dtype=jnp.float32)
    return {"x": x, "select_num": SELECT_NUM}


def reference(x, select_num):
    B = x.shape[0]
    patch_num = x.shape[3] - 1
    # score = attention of CLS token to all patches, per head: [B, H, patch_num]
    score = x[:, :, 0, 1:]
    # each head votes for its top-`vote_perhead` patches
    _, select = jax.lax.top_k(score, VOTE_PERHEAD)
    select = select.reshape(B, -1)  # [B, H * vote_perhead]
    # per-sample bincount of votes over patches
    count = jax.vmap(lambda b: jnp.bincount(b, length=patch_num))(select)
    count = count.astype(jnp.float32)
    # enhance_local: conv1d with fixed kernel [1, 2, 1], stride 1, padding 1
    padded = jnp.pad(count, ((0, 0), (1, 1)))
    count = padded[:, :-2] + 2.0 * padded[:, 1:-1] + padded[:, 2:]
    # sort descending, +1 to map back to token indices (skip CLS at 0)
    order = jnp.argsort(-count, axis=-1)
    patch_idx = order + 1
    col_idx = jnp.minimum(jnp.arange(SELECT_NUM), select_num - 1)
    return (jnp.take(patch_idx, col_idx, axis=1), count)

if __name__ == "__main__":
    import jax
    _d = setup_inputs()
    print(jax.jit(kernel)(*tuple(_d.values())))

</pallas_src>

<mosaic_0001>
#map = affine_map<(d0, d1) -> (0)>
module attributes {stable_mosaic.version = 14 : i64} {
  func.func @_sc_body(%arg0: i32, %arg1: i32, %arg2: memref<110592xf32, #tpu.memory_space<hbm>>, %arg3: memref<256xi32, #tpu.memory_space<hbm>>, %arg4: memref<9216xf32, #tpu.memory_space<hbm>>, %arg5: memref<3456xf32, #tpu.memory_space<vmem>>, %arg6: memref<96xi32, #tpu.memory_space<vmem>>, %arg7: memref<96xi32, #tpu.memory_space<vmem>>, %arg8: memref<608xf32, #tpu.memory_space<vmem>>, %arg9: memref<592xf32, #tpu.memory_space<vmem>>, %arg10: memref<592xi32, #tpu.memory_space<vmem>>, %arg11: memref<16xi32, #tpu.memory_space<vmem>>, %arg12: memref<1536xi32, #tpu.memory_space<vmem_shared>>) attributes {dimension_semantics = [#tpu.dimension_semantics<core_parallel>, #tpu.dimension_semantics<subcore_parallel>], iteration_bounds = array<i64: 2, 16>, scalar_prefetch = 0 : i64, scratch_operands = 8 : i64, tpu.core_type = #tpu.core_type<sc_vector_subcore>, window_params = [{transform_indices = #map}, {transform_indices = #map}, {transform_indices = #map}]} {
    %iota3A = tpu.iota {dimensions = array<i32: 0>} : vector<16xi32>
    %broadcast_in_dim3A = arith.constant 0 : i32
    %broadcast_in_dim3A_0 = vector.broadcast %broadcast_in_dim3A : i32 to vector<16xi32>
    %mul3A = arith.constant 8 : i32
    %mul3A_1 = arith.muli %arg0, %mul3A : i32
    %shift_right_arithmetic3A = arith.constant 1 : i32
    %shift_right_arithmetic3A_2 = arith.shrsi %arg1, %shift_right_arithmetic3A : i32
    %add3A = arith.addi %mul3A_1, %shift_right_arithmetic3A_2 : i32
    %and3A = arith.constant 1 : i32
    %and3A_3 = arith.andi %arg1, %and3A : i32
    %broadcast_in_dim3A_4 = arith.constant -2.000000e+00 : f32
    %broadcast_in_dim3A_5 = vector.broadcast %broadcast_in_dim3A_4 : f32 to vector<16xf32>
    %broadcast_in_dim3A_6 = arith.constant 1048576 : i32
    %broadcast_in_dim3A_7 = vector.broadcast %broadcast_in_dim3A_6 : i32 to vector<16xi32>
    %mul3A_8 = arith.constant 2 : i32
    %mul3A_9 = arith.muli %add3A, %mul3A_8 : i32
    %add3A_10 = arith.addi %mul3A_9, %and3A_3 : i32
    %mul3A_11 = arith.constant 3456 : i32
    %mul3A_12 = arith.muli %add3A_10, %mul3A_11 : i32
    %multiple_of3A = tpu.assume_multiple %mul3A_12, 16 : i32
    "tpu.region"() ({
      %run_scoped3A = tpu.sem_alloc : memref<!tpu.dma_semaphore, #tpu.memory_space<semaphore_mem>>
      %dma_start3A = tpu.memref_slice %arg2[%multiple_of3A] : memref<110592xf32, #tpu.memory_space<hbm>> -> memref<3456xf32, #tpu.memory_space<hbm>>
      %dma_start3A_24 = tpu.memref_slice %arg2[%multiple_of3A] : memref<110592xf32, #tpu.memory_space<hbm>> -> memref<3456xf32, #tpu.memory_space<hbm>>
      tpu.enqueue_dma source(%dma_start3A_24 : memref<3456xf32, #tpu.memory_space<hbm>>) target(%arg5 : memref<3456xf32, #tpu.memory_space<vmem>>) target_semaphore(%run_scoped3A : memref<!tpu.dma_semaphore, #tpu.memory_space<semaphore_mem>>)
      %dma_wait3A = tpu.memref_slice %arg2[%multiple_of3A] : memref<110592xf32, #tpu.memory_space<hbm>> -> memref<3456xf32, #tpu.memory_space<hbm>>
      %dma_wait3A_25 = tpu.memref_slice %arg2[%multiple_of3A] : memref<110592xf32, #tpu.memory_space<hbm>> -> memref<3456xf32, #tpu.memory_space<hbm>>
      tpu.wait_dma2 semaphore(%run_scoped3A : memref<!tpu.dma_semaphore, #tpu.memory_space<semaphore_mem>>) src(%dma_wait3A_25 : memref<3456xf32, #tpu.memory_space<hbm>>) dst(%arg5 : memref<3456xf32, #tpu.memory_space<vmem>>)
      tpu.yield
    }) : () -> ()
    %scan3A = arith.constant 0 : i32
    %scan3A_13 = arith.constant 0 : i32
    %scan3A_14 = arith.constant 3 : i32
    %scan3A_15 = arith.addi %scan3A_13, %scan3A_14 : i32
    %scan3A_16 = arith.constant 1 : i32
    %scan3A_17 = scf.for %scan3A_24 = %scan3A_13 to %scan3A_15 step %scan3A_16 iter_args(%scan3A_25 = %scan3A) -> (i32)  : i32 {
      %mul3A_26 = arith.constant 1152 : i32
      %mul3A_27 = arith.muli %scan3A_24, %mul3A_26 : i32
      %multiple_of3A_28 = tpu.assume_multiple %mul3A_27, 16 : i32
      %mul3A_29 = arith.constant 1152 : i32
      %mul3A_30 = arith.muli %scan3A_24, %mul3A_29 : i32
      %add3A_31 = arith.constant 576 : i32
      %add3A_32 = arith.addi %mul3A_30, %add3A_31 : i32
      %multiple_of3A_33 = tpu.assume_multiple %add3A_32, 16 : i32
      %broadcast_in_dim3A_34 = vector.broadcast %multiple_of3A_28 : i32 to vector<16xi32>
      %broadcast_in_dim3A_35 = vector.broadcast %multiple_of3A_33 : i32 to vector<16xi32>
      %broadcast_in_dim3A_36 = arith.constant -3.000000e+00 : f32
      %broadcast_in_dim3A_37 = vector.broadcast %broadcast_in_dim3A_36 : f32 to vector<16xf32>
      %scan3A_38 = arith.constant 0 : i32
      %scan3A_39 = arith.constant 36 : i32
      %scan3A_40 = arith.addi %scan3A_38, %scan3A_39 : i32
      %scan3A_41 = arith.constant 1 : i32
      %scan3A_42:4 = scf.for %scan3A_1230 = %scan3A_38 to %scan3A_40 step %scan3A_41 iter_args(%scan3A_1231 = %broadcast_in_dim3A_37, %scan3A_1232 = %broadcast_in_dim3A_0, %scan3A_1233 = %broadcast_in_dim3A_37, %scan3A_1234 = %broadcast_in_dim3A_0) -> (vector<16xf32>, vector<16xi32>, vector<16xf32>, vector<16xi32>)  : i32 {
        %mul3A_1235 = arith.constant 16 : i32
        %mul3A_1236 = arith.muli %scan3A_1230, %mul3A_1235 : i32
        %add3A_1237 = vector.broadcast %mul3A_1236 : i32 to vector<16xi32>
        %add3A_1238 = arith.addi %add3A_1237, %iota3A : vector<16xi32>
        %mul3A_1239 = arith.constant 16 : i32
        %mul3A_1240 = arith.muli %scan3A_1230, %mul3A_1239 : i32
        %add3A_1241 = arith.addi %multiple_of3A_28, %mul3A_1240 : i32
        %get3A = arith.index_cast %add3A_1241 : i32 to index
        %get3A_1242 = tpu.vector_load %arg5[%get3A] {strides = array<i32>} : memref<3456xf32, #tpu.memory_space<vmem>>, vector<16xf32>,
        %mul3A_1243 = arith.constant 16 : i32
        %mul3A_1244 = arith.muli %scan3A_1230, %mul3A_1243 : i32
        %add3A_1245 = arith.addi %multiple_of3A_33, %mul3A_1244 : i32
        %get3A_1246 = arith.index_cast %add3A_1245 : i32 to index
        %get3A_1247 = tpu.vector_load %arg5[%get3A_1246] {strides = array<i32>} : memref<3456xf32, #tpu.memory_space<vmem>>, vector<16xf32>,
        %gt3A = arith.cmpf ogt, %get3A_1242, %scan3A_1231 : vector<16xf32>
        %gt3A_1248 = arith.cmpf ogt, %get3A_1247, %scan3A_1233 : vector<16xf32>
        %select_n3A_1249 = arith.select %gt3A, %get3A_1242, %scan3A_1231 : vector<16xi1>, vector<16xf32>
        %select_n3A_1250 = arith.select %gt3A, %add3A_1238, %scan3A_1232 : vector<16xi1>, vector<16xi32>
        %select_n3A_1251 = arith.select %gt3A_1248, %get3A_1247, %scan3A_1233 : vector<16xi1>, vector<16xf32>
        %select_n3A_1252 = arith.select %gt3A_1248, %add3A_1238, %scan3A_1234 : vector<16xi1>, vector<16xi32>
        scf.yield %select_n3A_1249, %select_n3A_1250, %select_n3A_1251, %select_n3A_1252 : vector<16xf32>, vector<16xi32>, vector<16xf32>, vector<16xi32>
      }
      %scan3A_43 = arith.constant 36 : i32
      %reduce_max3A = arith.constant true
      %reduce_max3A_44 = vector.broadcast %reduce_max3A : i1 to vector<16xi1>
      %reduce_max3A_45 = tpu.scan <max>, %scan3A_42#0 masked %reduce_max3A_44 : vector<16xf32>, vector<16xi1> -> vector<16xf32>
      %reduce_max3A_46 = vector.extract %reduce_max3A_45[15] : f32 from vector<16xf32>
      %eq3A_47 = vector.broadcast %reduce_max3A_46 : f32 to vector<16xf32>
      %eq3A_48 = arith.cmpf oeq, %scan3A_42#0, %eq3A_47 : vector<16xf32>
      %select_n3A = arith.select %eq3A_48, %scan3A_42#1, %broadcast_in_dim3A_7 : vector<16xi1>, vector<16xi32>
      %reduce_min3A = arith.constant true
      %reduce_min3A_49 = vector.broadcast %reduce_min3A : i1 to vector<16xi1>
      %reduce_min3A_50 = tpu.scan <min>, %select_n3A masked %reduce_min3A_49 : vector<16xi32>, vector<16xi1> -> vector<16xi32>
      %reduce_min3A_51 = vector.extract %reduce_min3A_50[15] : i32 from vector<16xi32>
      %add3A_52 = vector.broadcast %reduce_min3A_51 : i32 to vector<16xi32>
      %add3A_53 = arith.addi %add3A_52, %broadcast_in_dim3A_0 : vector<16xi32>
      %eq3A_54 = arith.constant 0 : i32
      %eq3A_55 = vector.broadcast %eq3A_54 : i32 to vector<16xi32>
      %eq3A_56 = arith.cmpi eq, %iota3A, %eq3A_55 : vector<16xi32>
      %select_n3A_57 = arith.select %eq3A_56, %add3A_53, %broadcast_in_dim3A_0 : vector<16xi1>, vector<16xi32>
      %add3A_58 = arith.addi %broadcast_in_dim3A_34, %add3A_53 : vector<16xi32>
      %eq3A_59 = arith.constant 0 : i32
      %eq3A_60 = vector.broadcast %eq3A_59 : i32 to vector<16xi32>
      %eq3A_61 = arith.cmpi eq, %iota3A, %eq3A_60 : vector<16xi32>
      tpu.vector_store_idx %arg5[%add3A_58], %broadcast_in_dim3A_5 masked %eq3A_61 : memref<3456xf32, #tpu.memory_space<vmem>>[vector<16xi32>], vector<16xf32>, vector<16xi1>
      %and3A_62 = arith.constant 15 : i32
      %and3A_63 = vector.broadcast %and3A_62 : i32 to vector<16xi32>
      %and3A_64 = arith.andi %add3A_53, %and3A_63 : vector<16xi32>
      %mul3A_65 = arith.constant 16 : i32
      %mul3A_66 = vector.broadcast %mul3A_65 : i32 to vector<16xi32>
      %mul3A_67 = arith.muli %mul3A_66, %iota3A : vector<16xi32>
      %add3A_68 = arith.addi %and3A_64, %mul3A_67 : vector<16xi32>
      %add3A_69 = arith.constant 256 : i32
      %add3A_70 = vector.broadcast %add3A_69 : i32 to vector<16xi32>
      %add3A_71 = arith.addi %add3A_68, %add3A_70 : vector<16xi32>
      %add3A_72 = arith.constant 512 : i32
      %add3A_73 = vector.broadcast %add3A_72 : i32 to vector<16xi32>
      %add3A_74 = arith.addi %add3A_68, %add3A_73 : vector<16xi32>
      %min3A = arith.constant 575 : i32
      %min3A_75 = vector.broadcast %min3A : i32 to vector<16xi32>
      %min3A_76 = arith.minsi %add3A_74, %min3A_75 : vector<16xi32>
      %add3A_77 = arith.addi %broadcast_in_dim3A_34, %add3A_68 : vector<16xi32>
      %gather3A = tpu.vector_load_idx %arg5[%add3A_77] : memref<3456xf32, #tpu.memory_space<vmem>>[vector<16xi32>], vector<16xf32>,
      %add3A_78 = arith.addi %broadcast_in_dim3A_34, %add3A_71 : vector<16xi32>
      %gather3A_79 = tpu.vector_load_idx %arg5[%add3A_78] : memref<3456xf32, #tpu.memory_space<vmem>>[vector<16xi32>], vector<16xf32>,
      %lt3A = arith.constant 4 : i32
      %lt3A_80 = vector.broadcast %lt3A : i32 to vector<16xi32>
      %lt3A_81 = arith.cmpi slt, %iota3A, %lt3A_80 : vector<16xi32>
      %add3A_82 = arith.addi %broadcast_in_dim3A_34, %min3A_76 : vector<16xi32>
      %gather3A_83 = tpu.vector_load_idx %arg5[%add3A_82] : memref<3456xf32, #tpu.memory_space<vmem>>[vector<16xi32>], vector<16xf32>,
      %select_n3A_84 = arith.select %lt3A_81, %gather3A_83, %broadcast_in_dim3A_5 : vector<16xi1>, vector<16xf32>
      %max3A = arith.maximumf %gather3A, %gather3A_79 : vector<16xf32>
      %max3A_85 = arith.maximumf %max3A, %select_n3A_84 : vector<16xf32>
      %reduce_max3A_86 = arith.constant true
      %reduce_max3A_87 = vector.broadcast %reduce_max3A_86 : i1 to vector<16xi1>
      %reduce_max3A_88 = tpu.scan <max>, %max3A_85 masked %reduce_max3A_87 : vector<16xf32>, vector<16xi1> -> vector<16xf32>
      %reduce_max3A_89 = vector.extract %reduce_max3A_88[15] : f32 from vector<16xf32>
      %eq3A_90 = vector.broadcast %reduce_max3A_89 : f32 to vector<16xf32>
      %eq3A_91 = arith.cmpf oeq, %gather3A, %eq3A_90 : vector<16xf32>
      %select_n3A_92 = arith.select %eq3A_91, %add3A_68, %broadcast_in_dim3A_7 : vector<16xi1>, vector<16xi32>
      %eq3A_93 = vector.broadcast %reduce_max3A_89 : f32 to vector<16xf32>
      %eq3A_94 = arith.cmpf oeq, %gather3A_79, %eq3A_93 : vector<16xf32>
      %select_n3A_95 = arith.select %eq3A_94, %add3A_71, %broadcast_in_dim3A_7 : vector<16xi1>, vector<16xi32>
      %eq3A_96 = vector.broadcast %reduce_max3A_89 : f32 to vector<16xf32>
      %eq3A_97 = arith.cmpf oeq, %select_n3A_84, %eq3A_96 : vector<16xf32>
      %select_n3A_98 = arith.select %eq3A_97, %min3A_76, %broadcast_in_dim3A_7 : vector<16xi1>, vector<16xi32>
      %min3A_99 = arith.minsi %select_n3A_92, %select_n3A_95 : vector<16xi32>
      %min3A_100 = arith.minsi %min3A_99, %select_n3A_98 : vector<16xi32>
      %reduce_min3A_101 = arith.constant true
      %reduce_min3A_102 = vector.broadcast %reduce_min3A_101 : i1 to vector<16xi1>
      %reduce_min3A_103 = tpu.scan <min>, %min3A_100 masked %reduce_min3A_102 : vector<16xi32>, vector<16xi1> -> vector<16xi32>
      %reduce_min3A_104 = vector.extract %reduce_min3A_103[15] : i32 from vector<16xi32>
      %add3A_105 = vector.broadcast %reduce_min3A_104 : i32 to vector<16xi32>
      %add3A_106 = arith.addi %add3A_105, %broadcast_in_dim3A_0 : vector<16xi32>
      %eq3A_107 = arith.cmpi eq, %iota3A, %and3A_64 : vector<16xi32>
      %broadcast_in_dim3A_108 = vector.broadcast %reduce_max3A_89 : f32 to vector<16xf32>
      %select_n3A_109 = arith.select %eq3A_107, %broadcast_in_dim3A_108, %scan3A_42#0 : vector<16xi1>, vector<16xf32>
      %select_n3A_110 = arith.select %eq3A_107, %add3A_106, %scan3A_42#1 : vector<16xi1>, vector<16xi32>
      %reduce_max3A_111 = arith.constant true
      %reduce_max3A_112 = vector.broadcast %reduce_max3A_111 : i1 to vector<16xi1>
      %reduce_max3A_113 = tpu.scan <max>, %scan3A_42#2 masked %reduce_max3A_112 : vector<16xf32>, vector<16xi1> -> vector<16xf32>
      %reduce_max3A_114 = vector.extract %reduce_max3A_113[15] : f32 from vector<16xf32>
      %eq3A_115 = vector.broadcast %reduce_max3A_114 : f32 to vector<16xf32>
      %eq3A_116 = arith.cmpf oeq, %scan3A_42#2, %eq3A_115 : vector<16xf32>
      %select_n3A_117 = arith.select %eq3A_116, %scan3A_42#3, %broadcast_in_dim3A_7 : vector<16xi1>, vector<16xi32>
      %reduce_min3A_118 = arith.constant true
      %reduce_min3A_119 = vector.broadcast %reduce_min3A_118 : i1 to vector<16xi1>
      %reduce_min3A_120 = tpu.scan <min>, %select_n3A_117 masked %reduce_min3A_119 : vector<16xi32>, vector<16xi1> -> vector<16xi32>
      %reduce_min3A_121 = vector.extract %reduce_min3A_120[15] : i32 from vector<16xi32>
      %add3A_122 = vector.broadcast %reduce_min3A_121 : i32 to vector<16xi32>
      %add3A_123 = arith.addi %add3A_122, %broadcast_in_dim3A_0 : vector<16xi32>
      %eq3A_124 = arith.constant 0 : i32
      %eq3A_125 = vector.broadcast %eq3A_124 : i32 to vector<16xi32>
      %eq3A_126 = arith.cmpi eq, %iota3A, %eq3A_125 : vector<16xi32>
      %select_n3A_127 = arith.select %eq3A_126, %add3A_123, %broadcast_in_dim3A_0 : vector<16xi1>, vector<16xi32>
      %add3A_128 = arith.addi %broadcast_in_dim3A_35, %add3A_123 : vector<16xi32>
      %eq3A_129 = arith.constant 0 : i32
      %eq3A_130 = vector.broadcast %eq3A_129 : i32 to vector<16xi32>
      %eq3A_131 = arith.cmpi eq, %iota3A, %eq3A_130 : vector<16xi32>
      tpu.vector_store_idx %arg5[%add3A_128], %broadcast_in_dim3A_5 masked %eq3A_131 : memref<3456xf32, #tpu.memory_space<vmem>>[vector<16xi32>], vector<16xf32>, vector<16xi1>
      %and3A_132 = arith.constant 15 : i32
      %and3A_133 = vector.broadcast %and3A_132 : i32 to vector<16xi32>
      %and3A_134 = arith.andi %add3A_123, %and3A_133 : vector<16xi32>
      %mul3A_135 = arith.constant 16 : i32
      %mul3A_136 = vector.broadcast %mul3A_135 : i32 to vector<16xi32>
      %mul3A_137 = arith.muli %mul3A_136, %iota3A : vector<16xi32>
      %add3A_138 = arith.addi %and3A_134, %mul3A_137 : vector<16xi32>
      %add3A_139 = arith.constant 256 : i32
      %add3A_140 = vector.broadcast %add3A_139 : i32 to vector<16xi32>
      %add3A_141 = arith.addi %add3A_138, %add3A_140 : vector<16xi32>
      %add3A_142 = arith.constant 512 : i32
      %add3A_143 = vector.broadcast %add3A_142 : i32 to vector<16xi32>
      %add3A_144 = arith.addi %add3A_138, %add3A_143 : vector<16xi32>
      %min3A_145 = arith.constant 575 : i32
      %min3A_146 = vector.broadcast %min3A_145 : i32 to vector<16xi32>
      %min3A_147 = arith.minsi %add3A_144, %min3A_146 : vector<16xi32>
      %add3A_148 = arith.addi %broadcast_in_dim3A_35, %add3A_138 : vector<16xi32>
      %gather3A_149 = tpu.vector_load_idx %arg5[%add3A_148] : memref<3456xf32, #tpu.memory_space<vmem>>[vector<16xi32>], vector<16xf32>,
      %add3A_150 = arith.addi %broadcast_in_dim3A_35, %add3A_141 : vector<16xi32>
      %gather3A_151 = tpu.vector_load_idx %arg5[%add3A_150] : memref<3456xf32, #tpu.memory_space<vmem>>[vector<16xi32>], vector<16xf32>,
      %lt3A_152 = arith.constant 4 : i32
      %lt3A_153 = vector.broadcast %lt3A_152 : i32 to vector<16xi32>
      %lt3A_154 = arith.cmpi slt, %iota3A, %lt3A_153 : vector<16xi32>
      %add3A_155 = arith.addi %broadcast_in_dim3A_35, %min3A_147 : vector<16xi32>
      %gather3A_156 = tpu.vector_load_idx %arg5[%add3A_155] : memref<3456xf32, #tpu.memory_space<vmem>>[vector<16xi32>], vector<16xf32>,
      %select_n3A_157 = arith.select %lt3A_154, %gather3A_156, %broadcast_in_dim3A_5 : vector<16xi1>, vector<16xf32>
      %max3A_158 = arith.maximumf %gather3A_149, %gather3A_151 : vector<16xf32>
      %max3A_159 = arith.maximumf %max3A_158, %select_n3A_157 : vector<16xf32>
      %reduce_max3A_160 = arith.constant true
      %reduce_max3A_161 = vector.broadcast %reduce_max3A_160 : i1 to vector<16xi1>
      %reduce_max3A_162 = tpu.scan <max>, %max3A_159 masked %reduce_max3A_161 : vector<16xf32>, vector<16xi1> -> vector<16xf32>
      %reduce_max3A_163 = vector.extract %reduce_max3A_162[15] : f32 from vector<16xf32>
      %eq3A_164 = vector.broadcast %reduce_max3A_163 : f32 to vector<16xf32>
      %eq3A_165 = arith.cmpf oeq, %gather3A_149, %eq3A_164 : vector<16xf32>
      %select_n3A_166 = arith.select %eq3A_165, %add3A_138, %broadcast_in_dim3A_7 : vector<16xi1>, vector<16xi32>
      %eq3A_167 = vector.broadcast %reduce_max3A_163 : f32 to vector<16xf32>
      %eq3A_168 = arith.cmpf oeq, %gather3A_151, %eq3A_167 : vector<16xf32>
      %select_n3A_169 = arith.select %eq3A_168, %add3A_141, %broadcast_in_dim3A_7 : vector<16xi1>, vector<16xi32>
      %eq3A_170 = vector.broadcast %reduce_max3A_163 : f32 to vector<16xf32>
      %eq3A_171 = arith.cmpf oeq, %select_n3A_157, %eq3A_170 : vector<16xf32>
      %select_n3A_172 = arith.select %eq3A_171, %min3A_147, %broadcast_in_dim3A_7 : vector<16xi1>, vector<16xi32>
      %min3A_173 = arith.minsi %select_n3A_166, %select_n3A_169 : vector<16xi32>
      %min3A_174 = arith.minsi %min3A_173, %select_n3A_172 : vector<16xi32>
      %reduce_min3A_175 = arith.constant true
      %reduce_min3A_176 = vector.broadcast %reduce_min3A_175 : i1 to vector<16xi1>
      %reduce_min3A_177 = tpu.scan <min>, %min3A_174 masked %reduce_min3A_176 : vector<16xi32>, vector<16xi1> -> vector<16xi32>
      %reduce_min3A_178 = vector.extract %reduce_min3A_177[15] : i32 from vector<16xi32>
      %add3A_179 = vector.broadcast %reduce_min3A_178 : i32 to vector<16xi32>
      %add3A_180 = arith.addi %add3A_179, %broadcast_in_dim3A_0 : vector<16xi32>
      %eq3A_181 = arith.cmpi eq, %iota3A, %and3A_134 : vector<16xi32>
      %broadcast_in_dim3A_182 = vector.broadcast %reduce_max3A_163 : f32 to vector<16xf32>
      %select_n3A_183 = arith.select %eq3A_181, %broadcast_in_dim3A_182, %scan3A_42#2 : vector<16xi1>, vector<16xf32>
      %select_n3A_184 = arith.select %eq3A_181, %add3A_180, %scan3A_42#3 : vector<16xi1>, vector<16xi32>
      %reduce_max3A_185 = arith.constant true
      %reduce_max3A_186 = vector.broadcast %reduce_max3A_185 : i1 to vector<16xi1>
      %reduce_max3A_187 = tpu.scan <max>, %select_n3A_109 masked %reduce_max3A_186 : vector<16xf32>, vector<16xi1> -> vector<16xf32>
      %reduce_max3A_188 = vector.extract %reduce_max3A_187[15] : f32 from vector<16xf32>
      %eq3A_189 = vector.broadcast %reduce_max3A_188 : f32 to vector<16xf32>
      %eq3A_190 = arith.cmpf oeq, %select_n3A_109, %eq3A_189 : vector<16xf32>
      %select_n3A_191 = arith.select %eq3A_190, %select_n3A_110, %broadcast_in_dim3A_7 : vector<16xi1>, vector<16xi32>
      %reduce_min3A_192 = arith.constant true
      %reduce_min3A_193 = vector.broadcast %reduce_min3A_192 : i1 to vector<16xi1>
      %reduce_min3A_194 = tpu.scan <min>, %select_n3A_191 masked %reduce_min3A_193 : vector<16xi32>, vector<16xi1> -> vector<16xi32>
      %reduce_min3A_195 = vector.extract %reduce_min3A_194[15] : i32 from vector<16xi32>
      %add3A_196 = vector.broadcast %reduce_min3A_195 : i32 to vector<16xi32>
      %add3A_197 = arith.addi %add3A_196, %broadcast_in_dim3A_0 : vector<16xi32>
      %eq3A_198 = arith.constant 1 : i32
      %eq3A_199 = vector.broadcast %eq3A_198 : i32 to vector<16xi32>
      %eq3A_200 = arith.cmpi eq, %iota3A, %eq3A_199 : vector<16xi32>
      %select_n3A_201 = arith.select %eq3A_200, %add3A_197, %select_n3A_57 : vector<16xi1>, vector<16xi32>
      %add3A_202 = arith.addi %broadcast_in_dim3A_34, %add3A_197 : vector<16xi32>
      %eq3A_203 = arith.constant 0 : i32
      %eq3A_204 = vector.broadcast %eq3A_203 : i32 to vector<16xi32>
      %eq3A_205 = arith.cmpi eq, %iota3A, %eq3A_204 : vector<16xi32>
      tpu.vector_store_idx %arg5[%add3A_202], %broadcast_in_dim3A_5 masked %eq3A_205 : memref<3456xf32, #tpu.memory_space<vmem>>[vector<16xi32>], vector<16xf32>, vector<16xi1>
      %and3A_206 = arith.constant 15 : i32
      %and3A_207 = vector.broadcast %and3A_206 : i32 to vector<16xi32>
      %and3A_208 = arith.andi %add3A_197, %and3A_207 : vector<16xi32>
      %mul3A_209 = arith.constant 16 : i32
      %mul3A_210 = vector.broadcast %mul3A_209 : i32 to vector<16xi32>
      %mul3A_211 = arith.muli %mul3A_210, %iota3A : vector<16xi32>
      %add3A_212 = arith.addi %and3A_208, %mul3A_211 : vector<16xi32>
      %add3A_213 = arith.constant 256 : i32
      %add3A_214 = vector.broadcast %add3A_213 : i32 to vector<16xi32>
      %add3A_215 = arith.addi %add3A_212, %add3A_214 : vector<16xi32>
      %add3A_216 = arith.constant 512 : i32
      %add3A_217 = vector.broadcast %add3A_216 : i32 to vector<16xi32>
      %add3A_218 = arith.addi %add3A_212, %add3A_217 : vector<16xi32>
      %min3A_219 = arith.constant 575 : i32
      %min3A_220 = vector.broadcast %min3A_219 : i32 to vector<16xi32>
      %min3A_221 = arith.minsi %add3A_218, %min3A_220 : vector<16xi32>
      %add3A_222 = arith.addi %broadcast_in_dim3A_34, %add3A_212 : vector<16xi32>
      %gather3A_223 = tpu.vector_load_idx %arg5[%add3A_222] : memref<3456xf32, #tpu.memory_space<vmem>>[vector<16xi32>], vector<16xf32>,
      %add3A_224 = arith.addi %broadcast_in_dim3A_34, %add3A_215 : vector<16xi32>
      %gather3A_225 = tpu.vector_load_idx %arg5[%add3A_224] : memref<3456xf32, #tpu.memory_space<vmem>>[vector<16xi32>], vector<16xf32>,
      %lt3A_226 = arith.constant 4 : i32
      %lt3A_227 = vector.broadcast %lt3A_226 : i32 to vector<16xi32>
      %lt3A_228 = arith.cmpi slt, %iota3A, %lt3A_227 : vector<16xi32>
      %add3A_229 = arith.addi %broadcast_in_dim3A_34, %min3A_221 : vector<16xi32>
      %gather3A_230 = tpu.vector_load_idx %arg5[%add3A_229] : memref<3456xf32, #tpu.memory_space<vmem>>[vector<16xi32>], vector<16xf32>,
      %select_n3A_231 = arith.select %lt3A_228, %gather3A_230, %broadcast_in_dim3A_5 : vector<16xi1>, vector<16xf32>
      %max3A_232 = arith.maximumf %gather3A_223, %gather3A_225 : vector<16xf32>
      %max3A_233 = arith.maximumf %max3A_232, %select_n3A_231 : vector<16xf32>
      %reduce_max3A_234 = arith.constant true
      %reduce_max3A_235 = vector.broadcast %reduce_max3A_234 : i1 to vector<16xi1>
      %reduce_max3A_236 = tpu.scan <max>, %max3A_233 masked %reduce_max3A_235 : vector<16xf32>, vector<16xi1> -> vector<16xf32>
      %reduce_max3A_237 = vector.extract %reduce_max3A_236[15] : f32 from vector<16xf32>
      %eq3A_238 = vector.broadcast %reduce_max3A_237 : f32 to vector<16xf32>
      %eq3A_239 = arith.cmpf oeq, %gather3A_223, %eq3A_238 : vector<16xf32>
      %select_n3A_240 = arith.select %eq3A_239, %add3A_212, %broadcast_in_dim3A_7 : vector<16xi1>, vector<16xi32>
      %eq3A_241 = vector.broadcast %reduce_max3A_237 : f32 to vector<16xf32>
      %eq3A_242 = arith.cmpf oeq, %gather3A_225, %eq3A_241 : vector<16xf32>
      %select_n3A_243 = arith.select %eq3A_242, %add3A_215, %broadcast_in_dim3A_7 : vector<16xi1>, vector<16xi32>
      %eq3A_244 = vector.broadcast %reduce_max3A_237 : f32 to vector<16xf32>
      %eq3A_245 = arith.cmpf oeq, %select_n3A_231, %eq3A_244 : vector<16xf32>
      %select_n3A_246 = arith.select %eq3A_245, %min3A_221, %broadcast_in_dim3A_7 : vector<16xi1>, vector<16xi32>
      %min3A_247 = arith.minsi %select_n3A_240, %select_n3A_243 : vector<16xi32>
      %min3A_248 = arith.minsi %min3A_247, %select_n3A_246 : vector<16xi32>
      %reduce_min3A_249 = arith.constant true
      %reduce_min3A_250 = vector.broadcast %reduce_min3A_249 : i1 to vector<16xi1>
      %reduce_min3A_251 = tpu.scan <min>, %min3A_248 masked %reduce_min3A_250 : vector<16xi32>, vector<16xi1> -> vector<16xi32>
      %reduce_min3A_252 = vector.extract %reduce_min3A_251[15] : i32 from vector<16xi32>
      %add3A_253 = vector.broadcast %reduce_min3A_252 : i32 to vector<16xi32>
      %add3A_254 = arith.addi %add3A_253, %broadcast_in_dim3A_0 : vector<16xi32>
      %eq3A_255 = arith.cmpi eq, %iota3A, %and3A_208 : vector<16xi32>
      %broadcast_in_dim3A_256 = vector.broadcast %reduce_max3A_237 : f32 to vector<16xf32>
      %select_n3A_257 = arith.select %eq3A_255, %broadcast_in_dim3A_256, %select_n3A_109 : vector<16xi1>, vector<16xf32>
      %select_n3A_258 = arith.select %eq3A_255, %add3A_254, %select_n3A_110 : vector<16xi1>, vector<16xi32>
      %reduce_max3A_259 = arith.constant true
      %reduce_max3A_260 = vector.broadcast %reduce_max3A_259 : i1 to vector<16xi1>
      %reduce_max3A_261 = tpu.scan <max>, %select_n3A_183 masked %reduce_max3A_260 : vector<16xf32>, vector<16xi1> -> vector<16xf32>
      %reduce_max3A_262 = vector.extract %reduce_max3A_261[15] : f32 from vector<16xf32>
      %eq3A_263 = vector.broadcast %reduce_max3A_262 : f32 to vector<16xf32>
      %eq3A_264 = arith.cmpf oeq, %select_n3A_183, %eq3A_263 : vector<16xf32>
      %select_n3A_265 = arith.select %eq3A_264, %select_n3A_184, %broadcast_in_dim3A_7 : vector<16xi1>, vector<16xi32>
      %reduce_min3A_266 = arith.constant true
      %reduce_min3A_267 = vector.broadcast %reduce_min3A_266 : i1 to vector<16xi1>
      %reduce_min3A_268 = tpu.scan <min>, %select_n3A_265 masked %reduce_min3A_267 : vector<16xi32>, vector<16xi1> -> vector<16xi32>
      %reduce_min3A_269 = vector.extract %reduce_min3A_268[15] : i32 from vector<16xi32>
      %add3A_270 = vector.broadcast %reduce_min3A_269 : i32 to vector<16xi32>
      %add3A_271 = arith.addi %add3A_270, %broadcast_in_dim3A_0 : vector<16xi32>
      %eq3A_272 = arith.constant 1 : i32
      %eq3A_273 = vector.broadcast %eq3A_272 : i32 to vector<16xi32>
      %eq3A_274 = arith.cmpi eq, %iota3A, %eq3A_273 : vector<16xi32>
      %select_n3A_275 = arith.select %eq3A_274, %add3A_271, %select_n3A_127 : vector<16xi1>, vector<16xi32>
      %add3A_276 = arith.addi %broadcast_in_dim3A_35, %add3A_271 : vector<16xi32>
      %eq3A_277 = arith.constant 0 : i32
      %eq3A_278 = vector.broadcast %eq3A_277 : i32 to vector<16xi32>
      %eq3A_279 = arith.cmpi eq, %iota3A, %eq3A_278 : vector<16xi32>
      tpu.vector_store_idx %arg5[%add3A_276], %broadcast_in_dim3A_5 masked %eq3A_279 : memref<3456xf32, #tpu.memory_space<vmem>>[vector<16xi32>], vector<16xf32>, vector<16xi1>
      %and3A_280 = arith.constant 15 : i32
      %and3A_281 = vector.broadcast %and3A_280 : i32 to vector<16xi32>
      %and3A_282 = arith.andi %add3A_271, %and3A_281 : vector<16xi32>
      %mul3A_283 = arith.constant 16 : i32
      %mul3A_284 = vector.broadcast %mul3A_283 : i32 to vector<16xi32>
      %mul3A_285 = arith.muli %mul3A_284, %iota3A : vector<16xi32>
      %add3A_286 = arith.addi %and3A_282, %mul3A_285 : vector<16xi32>
      %add3A_287 = arith.constant 256 : i32
      %add3A_288 = vector.broadcast %add3A_287 : i32 to vector<16xi32>
      %add3A_289 = arith.addi %add3A_286, %add3A_288 : vector<16xi32>
      %add3A_290 = arith.constant 512 : i32
      %add3A_291 = vector.broadcast %add3A_290 : i32 to vector<16xi32>
      %add3A_292 = arith.addi %add3A_286, %add3A_291 : vector<16xi32>
      %min3A_293 = arith.constant 575 : i32
      %min3A_294 = vector.broadcast %min3A_293 : i32 to vector<16xi32>
      %min3A_295 = arith.minsi %add3A_292, %min3A_294 : vector<16xi32>
      %add3A_296 = arith.addi %broadcast_in_dim3A_35, %add3A_286 : vector<16xi32>
      %gather3A_297 = tpu.vector_load_idx %arg5[%add3A_296] : memref<3456xf32, #tpu.memory_space<vmem>>[vector<16xi32>], vector<16xf32>,
      %add3A_298 = arith.addi %broadcast_in_dim3A_35, %add3A_289 : vector<16xi32>
      %gather3A_299 = tpu.vector_load_idx %arg5[%add3A_298] : memref<3456xf32, #tpu.memory_space<vmem>>[vector<16xi32>], vector<16xf32>,
      %lt3A_300 = arith.constant 4 : i32
      %lt3A_301 = vector.broadcast %lt3A_300 : i32 to vector<16xi32>
      %lt3A_302 = arith.cmpi slt, %iota3A, %lt3A_301 : vector<16xi32>
      %add3A_303 = arith.addi %broadcast_in_dim3A_35, %min3A_295 : vector<16xi32>
      %gather3A_304 = tpu.vector_load_idx %arg5[%add3A_303] : memref<3456xf32, #tpu.memory_space<vmem>>[vector<16xi32>], vector<16xf32>,
      %select_n3A_305 = arith.select %lt3A_302, %gather3A_304, %broadcast_in_dim3A_5 : vector<16xi1>, vector<16xf32>
      %max3A_306 = arith.maximumf %gather3A_297, %gather3A_299 : vector<16xf32>
      %max3A_307 = arith.maximumf %max3A_306, %select_n3A_305 : vector<16xf32>
      %reduce_max3A_308 = arith.constant true
      %reduce_max3A_309 = vector.broadcast %reduce_max3A_308 : i1 to vector<16xi1>
      %reduce_max3A_310 = tpu.scan <max>, %max3A_307 masked %reduce_max3A_309 : vector<16xf32>, vector<16xi1> -> vector<16xf32>
      %reduce_max3A_311 = vector.extract %reduce_max3A_310[15] : f32 from vector<16xf32>
      %eq3A_312 = vector.broadcast %reduce_max3A_311 : f32 to vector<16xf32>
      %eq3A_313 = arith.cmpf oeq, %gather3A_297, %eq3A_312 : vector<16xf32>
      %select_n3A_314 = arith.select %eq3A_313, %add3A_286, %broadcast_in_dim3A_7 : vector<16xi1>, vector<16xi32>
      %eq3A_315 = vector.broadcast %reduce_max3A_311 : f32 to vector<16xf32>
      %eq3A_316 = arith.cmpf oeq, %gather3A_299, %eq3A_315 : vector<16xf32>
      %select_n3A_317 = arith.select %eq3A_316, %add3A_289, %broadcast_in_dim3A_7 : vector<16xi1>, vector<16xi32>
      %eq3A_318 = vector.broadcast %reduce_max3A_311 : f32 to vector<16xf32>
      %eq3A_319 = arith.cmpf oeq, %select_n3A_305, %eq3A_318 : vector<16xf32>
      %select_n3A_320 = arith.select %eq3A_319, %min3A_295, %broadcast_in_dim3A_7 : vector<16xi1>, vector<16xi32>
      %min3A_321 = arith.minsi %select_n3A_314, %select_n3A_317 : vector<16xi32>
      %min3A_322 = arith.minsi %min3A_321, %select_n3A_320 : vector<16xi32>
      %reduce_min3A_323 = arith.constant true
      %reduce_min3A_324 = vector.broadcast %reduce_min3A_323 : i1 to vector<16xi1>
      %reduce_min3A_325 = tpu.scan <min>, %min3A_322 masked %reduce_min3A_324 : vector<16xi32>, vector<16xi1> -> vector<16xi32>
      %reduce_min3A_326 = vector.extract %reduce_min3A_325[15] : i32 from vector<16xi32>
      %add3A_327 = vector.broadcast %reduce_min3A_326 : i32 to vector<16xi32>
      %add3A_328 = arith.addi %add3A_327, %broadcast_in_dim3A_0 : vector<16xi32>
      %eq3A_329 = arith.cmpi eq, %iota3A, %and3A_282 : vector<16xi32>
      %broadcast_in_dim3A_330 = vector.broadcast %reduce_max3A_311 : f32 to vector<16xf32>
      %select_n3A_331 = arith.select %eq3A_329, %broadcast_in_dim3A_330, %select_n3A_183 : vector<16xi1>, vector<16xf32>
      %select_n3A_332 = arith.select %eq3A_329, %add3A_328, %select_n3A_184 : vector<16xi1>, vector<16xi32>
      %reduce_max3A_333 = arith.constant true
      %reduce_max3A_334 = vector.broadcast %reduce_max3A_333 : i1 to vector<16xi1>
      %reduce_max3A_335 = tpu.scan <max>, %select_n3A_257 masked %reduce_max3A_334 : vector<16xf32>, vector<16xi1> -> vector<16xf32>
      %reduce_max3A_336 = vector.extract %reduce_max3A_335[15] : f32 from vector<16xf32>
      %eq3A_337 = vector.broadcast %reduce_max3A_336 : f32 to vector<16xf32>
      %eq3A_338 = arith.cmpf oeq, %select_n3A_257, %eq3A_337 : vector<16xf32>
      %select_n3A_339 = arith.select %eq3A_338, %select_n3A_258, %broadcast_in_dim3A_7 : vector<16xi1>, vector<16xi32>
      %reduce_min3A_340 = arith.constant true
      %reduce_min3A_341 = vector.broadcast %reduce_min3A_340 : i1 to vector<16xi1>
      %reduce_min3A_342 = tpu.scan <min>, %select_n3A_339 masked %reduce_min3A_341 : vector<16xi32>, vector<16xi1> -> vector<16xi32>
      %reduce_min3A_343 = vector.extract %reduce_min3A_342[15] : i32 from vector<16xi32>
      %add3A_344 = vector.broadcast %reduce_min3A_343 : i32 to vector<16xi32>
      %add3A_345 = arith.addi %add3A_344, %broadcast_in_dim3A_0 : vector<16xi32>
      %eq3A_346 = arith.constant 2 : i32
      %eq3A_347 = vector.broadcast %eq3A_346 : i32 to vector<16xi32>
      %eq3A_348 = arith.cmpi eq, %iota3A, %eq3A_347 : vector<16xi32>
      %select_n3A_349 = arith.select %eq3A_348, %add3A_345, %select_n3A_201 : vector<16xi1>, vector<16xi32>
      %add3A_350 = arith.addi %broadcast_in_dim3A_34, %add3A_345 : vector<16xi32>
      %eq3A_351 = arith.constant 0 : i32
      %eq3A_352 = vector.broadcast %eq3A_351 : i32 to vector<16xi32>
      %eq3A_353 = arith.cmpi eq, %iota3A, %eq3A_352 : vector<16xi32>
      tpu.vector_store_idx %arg5[%add3A_350], %broadcast_in_dim3A_5 masked %eq3A_353 : memref<3456xf32, #tpu.memory_space<vmem>>[vector<16xi32>], vector<16xf32>, vector<16xi1>
      %and3A_354 = arith.constant 15 : i32
      %and3A_355 = vector.broadcast %and3A_354 : i32 to vector<16xi32>
      %and3A_356 = arith.andi %add3A_345, %and3A_355 : vector<16xi32>
      %mul3A_357 = arith.constant 16 : i32
      %mul3A_358 = vector.broadcast %mul3A_357 : i32 to vector<16xi32>
      %mul3A_359 = arith.muli %mul3A_358, %iota3A : vector<16xi32>
      %add3A_360 = arith.addi %and3A_356, %mul3A_359 : vector<16xi32>
      %add3A_361 = arith.constant 256 : i32
      %add3A_362 = vector.broadcast %add3A_361 : i32 to vector<16xi32>
      %add3A_363 = arith.addi %add3A_360, %add3A_362 : vector<16xi32>
      %add3A_364 = arith.constant 512 : i32
      %add3A_365 = vector.broadcast %add3A_364 : i32 to vector<16xi32>
      %add3A_366 = arith.addi %add3A_360, %add3A_365 : vector<16xi32>
      %min3A_367 = arith.constant 575 : i32
      %min3A_368 = vector.broadcast %min3A_367 : i32 to vector<16xi32>
      %min3A_369 = arith.minsi %add3A_366, %min3A_368 : vector<16xi32>
      %add3A_370 = arith.addi %broadcast_in_dim3A_34, %add3A_360 : vector<16xi32>
      %gather3A_371 = tpu.vector_load_idx %arg5[%add3A_370] : memref<3456xf32, #tpu.memory_space<vmem>>[vector<16xi32>], vector<16xf32>,
      %add3A_372 = arith.addi %broadcast_in_dim3A_34, %add3A_363 : vector<16xi32>
      %gather3A_373 = tpu.vector_load_idx %arg5[%add3A_372] : memref<3456xf32, #tpu.memory_space<vmem>>[vector<16xi32>], vector<16xf32>,
      %lt3A_374 = arith.constant 4 : i32
      %lt3A_375 = vector.broadcast %lt3A_374 : i32 to vector<16xi32>
      %lt3A_376 = arith.cmpi slt, %iota3A, %lt3A_375 : vector<16xi32>
      %add3A_377 = arith.addi %broadcast_in_dim3A_34, %min3A_369 : vector<16xi32>
      %gather3A_378 = tpu.vector_load_idx %arg5[%add3A_377] : memref<3456xf32, #tpu.memory_space<vmem>>[vector<16xi32>], vector<16xf32>,
      %select_n3A_379 = arith.select %lt3A_376, %gather3A_378, %broadcast_in_dim3A_5 : vector<16xi1>, vector<16xf32>
      %max3A_380 = arith.maximumf %gather3A_371, %gather3A_373 : vector<16xf32>
      %max3A_381 = arith.maximumf %max3A_380, %select_n3A_379 : vector<16xf32>
      %reduce_max3A_382 = arith.constant true
      %reduce_max3A_383 = vector.broadcast %reduce_max3A_382 : i1 to vector<16xi1>
      %reduce_max3A_384 = tpu.scan <max>, %max3A_381 masked %reduce_max3A_383 : vector<16xf32>, vector<16xi1> -> vector<16xf32>
      %reduce_max3A_385 = vector.extract %reduce_max3A_384[15] : f32 from vector<16xf32>
      %eq3A_386 = vector.broadcast %reduce_max3A_385 : f32 to vector<16xf32>
      %eq3A_387 = arith.cmpf oeq, %gather3A_371, %eq3A_386 : vector<16xf32>
      %select_n3A_388 = arith.select %eq3A_387, %add3A_360, %broadcast_in_dim3A_7 : vector<16xi1>, vector<16xi32>
      %eq3A_389 = vector.broadcast %reduce_max3A_385 : f32 to vector<16xf32>
      %eq3A_390 = arith.cmpf oeq, %gather3A_373, %eq3A_389 : vector<16xf32>
      %select_n3A_391 = arith.select %eq3A_390, %add3A_363, %broadcast_in_dim3A_7 : vector<16xi1>, vector<16xi32>
      %eq3A_392 = vector.broadcast %reduce_max3A_385 : f32 to vector<16xf32>
      %eq3A_393 = arith.cmpf oeq, %select_n3A_379, %eq3A_392 : vector<16xf32>
      %select_n3A_394 = arith.select %eq3A_393, %min3A_369, %broadcast_in_dim3A_7 : vector<16xi1>, vector<16xi32>
      %min3A_395 = arith.minsi %select_n3A_388, %select_n3A_391 : vector<16xi32>
      %min3A_396 = arith.minsi %min3A_395, %select_n3A_394 : vector<16xi32>
      %reduce_min3A_397 = arith.constant true
      %reduce_min3A_398 = vector.broadcast %reduce_min3A_397 : i1 to vector<16xi1>
      %reduce_min3A_399 = tpu.scan <min>, %min3A_396 masked %reduce_min3A_398 : vector<16xi32>, vector<16xi1> -> vector<16xi32>
      %reduce_min3A_400 = vector.extract %reduce_min3A_399[15] : i32 from vector<16xi32>
      %add3A_401 = vector.broadcast %reduce_min3A_400 : i32 to vector<16xi32>
      %add3A_402 = arith.addi %add3A_401, %broadcast_in_dim3A_0 : vector<16xi32>
      %eq3A_403 = arith.cmpi eq, %iota3A, %and3A_356 : vector<16xi32>
      %broadcast_in_dim3A_404 = vector.broadcast %reduce_max3A_385 : f32 to vector<16xf32>
      %select_n3A_405 = arith.select %eq3A_403, %broadcast_in_dim3A_404, %select_n3A_257 : vector<16xi1>, vector<16xf32>
      %select_n3A_406 = arith.select %eq3A_403, %add3A_402, %select_n3A_258 : vector<16xi1>, vector<16xi32>
      %reduce_max3A_407 = arith.constant true
      %reduce_max3A_408 = vector.broadcast %reduce_max3A_407 : i1 to vector<16xi1>
      %reduce_max3A_409 = tpu.scan <max>, %select_n3A_331 masked %reduce_max3A_408 : vector<16xf32>, vector<16xi1> -> vector<16xf32>
      %reduce_max3A_410 = vector.extract %reduce_max3A_409[15] : f32 from vector<16xf32>
      %eq3A_411 = vector.broadcast %reduce_max3A_410 : f32 to vector<16xf32>
      %eq3A_412 = arith.cmpf oeq, %select_n3A_331, %eq3A_411 : vector<16xf32>
      %select_n3A_413 = arith.select %eq3A_412, %select_n3A_332, %broadcast_in_dim3A_7 : vector<16xi1>, vector<16xi32>
      %reduce_min3A_414 = arith.constant true
      %reduce_min3A_415 = vector.broadcast %reduce_min3A_414 : i1 to vector<16xi1>
      %reduce_min3A_416 = tpu.scan <min>, %select_n3A_413 masked %reduce_min3A_415 : vector<16xi32>, vector<16xi1> -> vector<16xi32>
      %reduce_min3A_417 = vector.extract %reduce_min3A_416[15] : i32 from vector<16xi32>
      %add3A_418 = vector.broadcast %reduce_min3A_417 : i32 to vector<16xi32>
      %add3A_419 = arith.addi %add3A_418, %broadcast_in_dim3A_0 : vector<16xi32>
      %eq3A_420 = arith.constant 2 : i32
      %eq3A_421 = vector.broadcast %eq3A_420 : i32 to vector<16xi32>
      %eq3A_422 = arith.cmpi eq, %iota3A, %eq3A_421 : vector<16xi32>
      %select_n3A_423 = arith.select %eq3A_422, %add3A_419, %select_n3A_275 : vector<16xi1>, vector<16xi32>
      %add3A_424 = arith.addi %broadcast_in_dim3A_35, %add3A_419 : vector<16xi32>
      %eq3A_425 = arith.constant 0 : i32
      %eq3A_426 = vector.broadcast %eq3A_425 : i32 to vector<16xi32>
      %eq3A_427 = arith.cmpi eq, %iota3A, %eq3A_426 : vector<16xi32>
      tpu.vector_store_idx %arg5[%add3A_424], %broadcast_in_dim3A_5 masked %eq3A_427 : memref<3456xf32, #tpu.memory_space<vmem>>[vector<16xi32>], vector<16xf32>, vector<16xi1>
      %and3A_428 = arith.constant 15 : i32
      %and3A_429 = vector.broadcast %and3A_428 : i32 to vector<16xi32>
      %and3A_430 = arith.andi %add3A_419, %and3A_429 : vector<16xi32>
      %mul3A_431 = arith.constant 16 : i32
      %mul3A_432 = vector.broadcast %mul3A_431 : i32 to vector<16xi32>
      %mul3A_433 = arith.muli %mul3A_432, %iota3A : vector<16xi32>
      %add3A_434 = arith.addi %and3A_430, %mul3A_433 : vector<16xi32>
      %add3A_435 = arith.constant 256 : i32
      %add3A_436 = vector.broadcast %add3A_435 : i32 to vector<16xi32>
      %add3A_437 = arith.addi %add3A_434, %add3A_436 : vector<16xi32>
      %add3A_438 = arith.constant 512 : i32
      %add3A_439 = vector.broadcast %add3A_438 : i32 to vector<16xi32>
      %add3A_440 = arith.addi %add3A_434, %add3A_439 : vector<16xi32>
      %min3A_441 = arith.constant 575 : i32
      %min3A_442 = vector.broadcast %min3A_441 : i32 to vector<16xi32>
      %min3A_443 = arith.minsi %add3A_440, %min3A_442 : vector<16xi32>
      %add3A_444 = arith.addi %broadcast_in_dim3A_35, %add3A_434 : vector<16xi32>
      %gather3A_445 = tpu.vector_load_idx %arg5[%add3A_444] : memref<3456xf32, #tpu.memory_space<vmem>>[vector<16xi32>], vector<16xf32>,
      %add3A_446 = arith.addi %broadcast_in_dim3A_35, %add3A_437 : vector<16xi32>
      %gather3A_447 = tpu.vector_load_idx %arg5[%add3A_446] : memref<3456xf32, #tpu.memory_space<vmem>>[vector<16xi32>], vector<16xf32>,
      %lt3A_448 = arith.constant 4 : i32
      %lt3A_449 = vector.broadcast %lt3A_448 : i32 to vector<16xi32>
      %lt3A_450 = arith.cmpi slt, %iota3A, %lt3A_449 : vector<16xi32>
      %add3A_451 = arith.addi %broadcast_in_dim3A_35, %min3A_443 : vector<16xi32>
      %gather3A_452 = tpu.vector_load_idx %arg5[%add3A_451] : memref<3456xf32, #tpu.memory_space<vmem>>[vector<16xi32>], vector<16xf32>,
      %select_n3A_453 = arith.select %lt3A_450, %gather3A_452, %broadcast_in_dim3A_5 : vector<16xi1>, vector<16xf32>
      %max3A_454 = arith.maximumf %gather3A_445, %gather3A_447 : vector<16xf32>
      %max3A_455 = arith.maximumf %max3A_454, %select_n3A_453 : vector<16xf32>
      %reduce_max3A_456 = arith.constant true
      %reduce_max3A_457 = vector.broadcast %reduce_max3A_456 : i1 to vector<16xi1>
      %reduce_max3A_458 = tpu.scan <max>, %max3A_455 masked %reduce_max3A_457 : vector<16xf32>, vector<16xi1> -> vector<16xf32>
      %reduce_max3A_459 = vector.extract %reduce_max3A_458[15] : f32 from vector<16xf32>
      %eq3A_460 = vector.broadcast %reduce_max3A_459 : f32 to vector<16xf32>
      %eq3A_461 = arith.cmpf oeq, %gather3A_445, %eq3A_460 : vector<16xf32>
      %select_n3A_462 = arith.select %eq3A_461, %add3A_434, %broadcast_in_dim3A_7 : vector<16xi1>, vector<16xi32>
      %eq3A_463 = vector.broadcast %reduce_max3A_459 : f32 to vector<16xf32>
      %eq3A_464 = arith.cmpf oeq, %gather3A_447, %eq3A_463 : vector<16xf32>
      %select_n3A_465 = arith.select %eq3A_464, %add3A_437, %broadcast_in_dim3A_7 : vector<16xi1>, vector<16xi32>
      %eq3A_466 = vector.broadcast %reduce_max3A_459 : f32 to vector<16xf32>
      %eq3A_467 = arith.cmpf oeq, %select_n3A_453, %eq3A_466 : vector<16xf32>
      %select_n3A_468 = arith.select %eq3A_467, %min3A_443, %broadcast_in_dim3A_7 : vector<16xi1>, vector<16xi32>
      %min3A_469 = arith.minsi %select_n3A_462, %select_n3A_465 : vector<16xi32>
      %min3A_470 = arith.minsi %min3A_469, %select_n3A_468 : vector<16xi32>
      %reduce_min3A_471 = arith.constant true
      %reduce_min3A_472 = vector.broadcast %reduce_min3A_471 : i1 to vector<16xi1>
      %reduce_min3A_473 = tpu.scan <min>, %min3A_470 masked %reduce_min3A_472 : vector<16xi32>, vector<16xi1> -> vector<16xi32>
      %reduce_min3A_474 = vector.extract %reduce_min3A_473[15] : i32 from vector<16xi32>
      %add3A_475 = vector.broadcast %reduce_min3A_474 : i32 to vector<16xi32>
      %add3A_476 = arith.addi %add3A_475, %broadcast_in_dim3A_0 : vector<16xi32>
      %eq3A_477 = arith.cmpi eq, %iota3A, %and3A_430 : vector<16xi32>
      %broadcast_in_dim3A_478 = vector.broadcast %reduce_max3A_459 : f32 to vector<16xf32>
      %select_n3A_479 = arith.select %eq3A_477, %broadcast_in_dim3A_478, %select_n3A_331 : vector<16xi1>, vector<16xf32>
      %select_n3A_480 = arith.select %eq3A_477, %add3A_476, %select_n3A_332 : vector<16xi1>, vector<16xi32>
      %reduce_max3A_481 = arith.constant true
      %reduce_max3A_482 = vector.broadcast %reduce_max3A_481 : i1 to vector<16xi1>
      %reduce_max3A_483 = tpu.scan <max>, %select_n3A_405 masked %reduce_max3A_482 : vector<16xf32>, vector<16xi1> -> vector<16xf32>
      %reduce_max3A_484 = vector.extract %reduce_max3A_483[15] : f32 from vector<16xf32>
      %eq3A_485 = vector.broadcast %reduce_max3A_484 : f32 to vector<16xf32>
      %eq3A_486 = arith.cmpf oeq, %select_n3A_405, %eq3A_485 : vector<16xf32>
      %select_n3A_487 = arith.select %eq3A_486, %select_n3A_406, %broadcast_in_dim3A_7 : vector<16xi1>, vector<16xi32>
      %reduce_min3A_488 = arith.constant true
      %reduce_min3A_489 = vector.broadcast %reduce_min3A_488 : i1 to vector<16xi1>
      %reduce_min3A_490 = tpu.scan <min>, %select_n3A_487 masked %reduce_min3A_489 : vector<16xi32>, vector<16xi1> -> vector<16xi32>
      %reduce_min3A_491 = vector.extract %reduce_min3A_490[15] : i32 from vector<16xi32>
      %add3A_492 = vector.broadcast %reduce_min3A_491 : i32 to vector<16xi32>
      %add3A_493 = arith.addi %add3A_492, %broadcast_in_dim3A_0 : vector<16xi32>
      %eq3A_494 = arith.constant 3 : i32
      %eq3A_495 = vector.broadcast %eq3A_494 : i32 to vector<16xi32>
      %eq3A_496 = arith.cmpi eq, %iota3A, %eq3A_495 : vector<16xi32>
      %select_n3A_497 = arith.select %eq3A_496, %add3A_493, %select_n3A_349 : vector<16xi1>, vector<16xi32>
      %add3A_498 = arith.addi %broadcast_in_dim3A_34, %add3A_493 : vector<16xi32>
      %eq3A_499 = arith.constant 0 : i32
      %eq3A_500 = vector.broadcast %eq3A_499 : i32 to vector<16xi32>
      %eq3A_501 = arith.cmpi eq, %iota3A, %eq3A_500 : vector<16xi32>
      tpu.vector_store_idx %arg5[%add3A_498], %broadcast_in_dim3A_5 masked %eq3A_501 : memref<3456xf32, #tpu.memory_space<vmem>>[vector<16xi32>], vector<16xf32>, vector<16xi1>
      %and3A_502 = arith.constant 15 : i32
      %and3A_503 = vector.broadcast %and3A_502 : i32 to vector<16xi32>
      %and3A_504 = arith.andi %add3A_493, %and3A_503 : vector<16xi32>
      %mul3A_505 = arith.constant 16 : i32
      %mul3A_506 = vector.broadcast %mul3A_505 : i32 to vector<16xi32>
      %mul3A_507 = arith.muli %mul3A_506, %iota3A : vector<16xi32>
      %add3A_508 = arith.addi %and3A_504, %mul3A_507 : vector<16xi32>
      %add3A_509 = arith.constant 256 : i32
      %add3A_510 = vector.broadcast %add3A_509 : i32 to vector<16xi32>
      %add3A_511 = arith.addi %add3A_508, %add3A_510 : vector<16xi32>
      %add3A_512 = arith.constant 512 : i32
      %add3A_513 = vector.broadcast %add3A_512 : i32 to vector<16xi32>
      %add3A_514 = arith.addi %add3A_508, %add3A_513 : vector<16xi32>
      %min3A_515 = arith.constant 575 : i32
      %min3A_516 = vector.broadcast %min3A_515 : i32 to vector<16xi32>
      %min3A_517 = arith.minsi %add3A_514, %min3A_516 : vector<16xi32>
      %add3A_518 = arith.addi %broadcast_in_dim3A_34, %add3A_508 : vector<16xi32>
      %gather3A_519 = tpu.vector_load_idx %arg5[%add3A_518] : memref<3456xf32, #tpu.memory_space<vmem>>[vector<16xi32>], vector<16xf32>,
      %add3A_520 = arith.addi %broadcast_in_dim3A_34, %add3A_511 : vector<16xi32>
      %gather3A_521 = tpu.vector_load_idx %arg5[%add3A_520] : memref<3456xf32, #tpu.memory_space<vmem>>[vector<16xi32>], vector<16xf32>,
      %lt3A_522 = arith.constant 4 : i32
      %lt3A_523 = vector.broadcast %lt3A_522 : i32 to vector<16xi32>
      %lt3A_524 = arith.cmpi slt, %iota3A, %lt3A_523 : vector<16xi32>
      %add3A_525 = arith.addi %broadcast_in_dim3A_34, %min3A_517 : vector<16xi32>
      %gather3A_526 = tpu.vector_load_idx %arg5[%add3A_525] : memref<3456xf32, #tpu.memory_space<vmem>>[vector<16xi32>], vector<16xf32>,
      %select_n3A_527 = arith.select %lt3A_524, %gather3A_526, %broadcast_in_dim3A_5 : vector<16xi1>, vector<16xf32>
      %max3A_528 = arith.maximumf %gather3A_519, %gather3A_521 : vector<16xf32>
      %max3A_529 = arith.maximumf %max3A_528, %select_n3A_527 : vector<16xf32>
      %reduce_max3A_530 = arith.constant true
      %reduce_max3A_531 = vector.broadcast %reduce_max3A_530 : i1 to vector<16xi1>
      %reduce_max3A_532 = tpu.scan <max>, %max3A_529 masked %reduce_max3A_531 : vector<16xf32>, vector<16xi1> -> vector<16xf32>
      %reduce_max3A_533 = vector.extract %reduce_max3A_532[15] : f32 from vector<16xf32>
      %eq3A_534 = vector.broadcast %reduce_max3A_533 : f32 to vector<16xf32>
      %eq3A_535 = arith.cmpf oeq, %gather3A_519, %eq3A_534 : vector<16xf32>
      %select_n3A_536 = arith.select %eq3A_535, %add3A_508, %broadcast_in_dim3A_7 : vector<16xi1>, vector<16xi32>
      %eq3A_537 = vector.broadcast %reduce_max3A_533 : f32 to vector<16xf32>
      %eq3A_538 = arith.cmpf oeq, %gather3A_521, %eq3A_537 : vector<16xf32>
      %select_n3A_539 = arith.select %eq3A_538, %add3A_511, %broadcast_in_dim3A_7 : vector<16xi1>, vector<16xi32>
      %eq3A_540 = vector.broadcast %reduce_max3A_533 : f32 to vector<16xf32>
      %eq3A_541 = arith.cmpf oeq, %select_n3A_527, %eq3A_540 : vector<16xf32>
      %select_n3A_542 = arith.select %eq3A_541, %min3A_517, %broadcast_in_dim3A_7 : vector<16xi1>, vector<16xi32>
      %min3A_543 = arith.minsi %select_n3A_536, %select_n3A_539 : vector<16xi32>
      %min3A_544 = arith.minsi %min3A_543, %select_n3A_542 : vector<16xi32>
      %reduce_min3A_545 = arith.constant true
      %reduce_min3A_546 = vector.broadcast %reduce_min3A_545 : i1 to vector<16xi1>
      %reduce_min3A_547 = tpu.scan <min>, %min3A_544 masked %reduce_min3A_546 : vector<16xi32>, vector<16xi1> -> vector<16xi32>
      %reduce_min3A_548 = vector.extract %reduce_min3A_547[15] : i32 from vector<16xi32>
      %add3A_549 = vector.broadcast %reduce_min3A_548 : i32 to vector<16xi32>
      %add3A_550 = arith.addi %add3A_549, %broadcast_in_dim3A_0 : vector<16xi32>
      %eq3A_551 = arith.cmpi eq, %iota3A, %and3A_504 : vector<16xi32>
      %broadcast_in_dim3A_552 = vector.broadcast %reduce_max3A_533 : f32 to vector<16xf32>
      %select_n3A_553 = arith.select %eq3A_551, %broadcast_in_dim3A_552, %select_n3A_405 : vector<16xi1>, vector<16xf32>
      %select_n3A_554 = arith.select %eq3A_551, %add3A_550, %select_n3A_406 : vector<16xi1>, vector<16xi32>
      %reduce_max3A_555 = arith.constant true
      %reduce_max3A_556 = vector.broadcast %reduce_max3A_555 : i1 to vector<16xi1>
      %reduce_max3A_557 = tpu.scan <max>, %select_n3A_479 masked %reduce_max3A_556 : vector<16xf32>, vector<16xi1> -> vector<16xf32>
      %reduce_max3A_558 = vector.extract %reduce_max3A_557[15] : f32 from vector<16xf32>
      %eq3A_559 = vector.broadcast %reduce_max3A_558 : f32 to vector<16xf32>
      %eq3A_560 = arith.cmpf oeq, %select_n3A_479, %eq3A_559 : vector<16xf32>
      %select_n3A_561 = arith.select %eq3A_560, %select_n3A_480, %broadcast_in_dim3A_7 : vector<16xi1>, vector<16xi32>
      %reduce_min3A_562 = arith.constant true
      %reduce_min3A_563 = vector.broadcast %reduce_min3A_562 : i1 to vector<16xi1>
      %reduce_min3A_564 = tpu.scan <min>, %select_n3A_561 masked %reduce_min3A_563 : vector<16xi32>, vector<16xi1> -> vector<16xi32>
      %reduce_min3A_565 = vector.extract %reduce_min3A_564[15] : i32 from vector<16xi32>
      %add3A_566 = vector.broadcast %reduce_min3A_565 : i32 to vector<16xi32>
      %add3A_567 = arith.addi %add3A_566, %broadcast_in_dim3A_0 : vector<16xi32>
      %eq3A_568 = arith.constant 3 : i32
      %eq3A_569 = vector.broadcast %eq3A_568 : i32 to vector<16xi32>
      %eq3A_570 = arith.cmpi eq, %iota3A, %eq3A_569 : vector<16xi32>
      %select_n3A_571 = arith.select %eq3A_570, %add3A_567, %select_n3A_423 : vector<16xi1>, vector<16xi32>
      %add3A_572 = arith.addi %broadcast_in_dim3A_35, %add3A_567 : vector<16xi32>
      %eq3A_573 = arith.constant 0 : i32
      %eq3A_574 = vector.broadcast %eq3A_573 : i32 to vector<16xi32>
      %eq3A_575 = arith.cmpi eq, %iota3A, %eq3A_574 : vector<16xi32>
      tpu.vector_store_idx %arg5[%add3A_572], %broadcast_in_dim3A_5 masked %eq3A_575 : memref<3456xf32, #tpu.memory_space<vmem>>[vector<16xi32>], vector<16xf32>, vector<16xi1>
      %and3A_576 = arith.constant 15 : i32
      %and3A_577 = vector.broadcast %and3A_576 : i32 to vector<16xi32>
      %and3A_578 = arith.andi %add3A_567, %and3A_577 : vector<16xi32>
      %mul3A_579 = arith.constant 16 : i32
      %mul3A_580 = vector.broadcast %mul3A_579 : i32 to vector<16xi32>
      %mul3A_581 = arith.muli %mul3A_580, %iota3A : vector<16xi32>
      %add3A_582 = arith.addi %and3A_578, %mul3A_581 : vector<16xi32>
      %add3A_583 = arith.constant 256 : i32
      %add3A_584 = vector.broadcast %add3A_583 : i32 to vector<16xi32>
      %add3A_585 = arith.addi %add3A_582, %add3A_584 : vector<16xi32>
      %add3A_586 = arith.constant 512 : i32
      %add3A_587 = vector.broadcast %add3A_586 : i32 to vector<16xi32>
      %add3A_588 = arith.addi %add3A_582, %add3A_587 : vector<16xi32>
      %min3A_589 = arith.constant 575 : i32
      %min3A_590 = vector.broadcast %min3A_589 : i32 to vector<16xi32>
      %min3A_591 = arith.minsi %add3A_588, %min3A_590 : vector<16xi32>
      %add3A_592 = arith.addi %broadcast_in_dim3A_35, %add3A_582 : vector<16xi32>
      %gather3A_593 = tpu.vector_load_idx %arg5[%add3A_592] : memref<3456xf32, #tpu.memory_space<vmem>>[vector<16xi32>], vector<16xf32>,
      %add3A_594 = arith.addi %broadcast_in_dim3A_35, %add3A_585 : vector<16xi32>
      %gather3A_595 = tpu.vector_load_idx %arg5[%add3A_594] : memref<3456xf32, #tpu.memory_space<vmem>>[vector<16xi32>], vector<16xf32>,
      %lt3A_596 = arith.constant 4 : i32
      %lt3A_597 = vector.broadcast %lt3A_596 : i32 to vector<16xi32>
      %lt3A_598 = arith.cmpi slt, %iota3A, %lt3A_597 : vector<16xi32>
      %add3A_599 = arith.addi %broadcast_in_dim3A_35, %min3A_591 : vector<16xi32>
      %gather3A_600 = tpu.vector_load_idx %arg5[%add3A_599] : memref<3456xf32, #tpu.memory_space<vmem>>[vector<16xi32>], vector<16xf32>,
      %select_n3A_601 = arith.select %lt3A_598, %gather3A_600, %broadcast_in_dim3A_5 : vector<16xi1>, vector<16xf32>
      %max3A_602 = arith.maximumf %gather3A_593, %gather3A_595 : vector<16xf32>
      %max3A_603 = arith.maximumf %max3A_602, %select_n3A_601 : vector<16xf32>
      %reduce_max3A_604 = arith.constant true
      %reduce_max3A_605 = vector.broadcast %reduce_max3A_604 : i1 to vector<16xi1>
      %reduce_max3A_606 = tpu.scan <max>, %max3A_603 masked %reduce_max3A_605 : vector<16xf32>, vector<16xi1> -> vector<16xf32>
      %reduce_max3A_607 = vector.extract %reduce_max3A_606[15] : f32 from vector<16xf32>
      %eq3A_608 = vector.broadcast %reduce_max3A_607 : f32 to vector<16xf32>
      %eq3A_609 = arith.cmpf oeq, %gather3A_593, %eq3A_608 : vector<16xf32>
      %select_n3A_610 = arith.select %eq3A_609, %add3A_582, %broadcast_in_dim3A_7 : vector<16xi1>, vector<16xi32>
      %eq3A_611 = vector.broadcast %reduce_max3A_607 : f32 to vector<16xf32>
      %eq3A_612 = arith.cmpf oeq, %gather3A_595, %eq3A_611 : vector<16xf32>
      %select_n3A_613 = arith.select %eq3A_612, %add3A_585, %broadcast_in_dim3A_7 : vector<16xi1>, vector<16xi32>
      %eq3A_614 = vector.broadcast %reduce_max3A_607 : f32 to vector<16xf32>
      %eq3A_615 = arith.cmpf oeq, %select_n3A_601, %eq3A_614 : vector<16xf32>
      %select_n3A_616 = arith.select %eq3A_615, %min3A_591, %broadcast_in_dim3A_7 : vector<16xi1>, vector<16xi32>
      %min3A_617 = arith.minsi %select_n3A_610, %select_n3A_613 : vector<16xi32>
      %min3A_618 = arith.minsi %min3A_617, %select_n3A_616 : vector<16xi32>
      %reduce_min3A_619 = arith.constant true
      %reduce_min3A_620 = vector.broadcast %reduce_min3A_619 : i1 to vector<16xi1>
      %reduce_min3A_621 = tpu.scan <min>, %min3A_618 masked %reduce_min3A_620 : vector<16xi32>, vector<16xi1> -> vector<16xi32>
      %reduce_min3A_622 = vector.extract %reduce_min3A_621[15] : i32 from vector<16xi32>
      %add3A_623 = vector.broadcast %reduce_min3A_622 : i32 to vector<16xi32>
      %add3A_624 = arith.addi %add3A_623, %broadcast_in_dim3A_0 : vector<16xi32>
      %eq3A_625 = arith.cmpi eq, %iota3A, %and3A_578 : vector<16xi32>
      %broadcast_in_dim3A_626 = vector.broadcast %reduce_max3A_607 : f32 to vector<16xf32>
      %select_n3A_627 = arith.select %eq3A_625, %broadcast_in_dim3A_626, %select_n3A_479 : vector<16xi1>, vector<16xf32>
      %select_n3A_628 = arith.select %eq3A_625, %add3A_624, %select_n3A_480 : vector<16xi1>, vector<16xi32>
      %reduce_max3A_629 = arith.constant true
      %reduce_max3A_630 = vector.broadcast %reduce_max3A_629 : i1 to vector<16xi1>
      %reduce_max3A_631 = tpu.scan <max>, %select_n3A_553 masked %reduce_max3A_630 : vector<16xf32>, vector<16xi1> -> vector<16xf32>
      %reduce_max3A_632 = vector.extract %reduce_max3A_631[15] : f32 from vector<16xf32>
      %eq3A_633 = vector.broadcast %reduce_max3A_632 : f32 to vector<16xf32>
      %eq3A_634 = arith.cmpf oeq, %select_n3A_553, %eq3A_633 : vector<16xf32>
      %select_n3A_635 = arith.select %eq3A_634, %select_n3A_554, %broadcast_in_dim3A_7 : vector<16xi1>, vector<16xi32>
      %reduce_min3A_636 = arith.constant true
      %reduce_min3A_637 = vector.broadcast %reduce_min3A_636 : i1 to vector<16xi1>
      %reduce_min3A_638 = tpu.scan <min>, %select_n3A_635 masked %reduce_min3A_637 : vector<16xi32>, vector<16xi1> -> vector<16xi32>
      %reduce_min3A_639 = vector.extract %reduce_min3A_638[15] : i32 from vector<16xi32>
      %add3A_640 = vector.broadcast %reduce_min3A_639 : i32 to vector<16xi32>
      %add3A_641 = arith.addi %add3A_640, %broadcast_in_dim3A_0 : vector<16xi32>
      %eq3A_642 = arith.constant 4 : i32
      %eq3A_643 = vector.broadcast %eq3A_642 : i32 to vector<16xi32>
      %eq3A_644 = arith.cmpi eq, %iota3A, %eq3A_643 : vector<16xi32>
      %select_n3A_645 = arith.select %eq3A_644, %add3A_641, %select_n3A_497 : vector<16xi1>, vector<16xi32>
      %add3A_646 = arith.addi %broadcast_in_dim3A_34, %add3A_641 : vector<16xi32>
      %eq3A_647 = arith.constant 0 : i32
      %eq3A_648 = vector.broadcast %eq3A_647 : i32 to vector<16xi32>
      %eq3A_649 = arith.cmpi eq, %iota3A, %eq3A_648 : vector<16xi32>
      tpu.vector_store_idx %arg5[%add3A_646], %broadcast_in_dim3A_5 masked %eq3A_649 : memref<3456xf32, #tpu.memory_space<vmem>>[vector<16xi32>], vector<16xf32>, vector<16xi1>
      %and3A_650 = arith.constant 15 : i32
      %and3A_651 = vector.broadcast %and3A_650 : i32 to vector<16xi32>
      %and3A_652 = arith.andi %add3A_641, %and3A_651 : vector<16xi32>
      %mul3A_653 = arith.constant 16 : i32
      %mul3A_654 = vector.broadcast %mul3A_653 : i32 to vector<16xi32>
      %mul3A_655 = arith.muli %mul3A_654, %iota3A : vector<16xi32>
      %add3A_656 = arith.addi %and3A_652, %mul3A_655 : vector<16xi32>
      %add3A_657 = arith.constant 256 : i32
      %add3A_658 = vector.broadcast %add3A_657 : i32 to vector<16xi32>
      %add3A_659 = arith.addi %add3A_656, %add3A_658 : vector<16xi32>
      %add3A_660 = arith.constant 512 : i32
      %add3A_661 = vector.broadcast %add3A_660 : i32 to vector<16xi32>
      %add3A_662 = arith.addi %add3A_656, %add3A_661 : vector<16xi32>
      %min3A_663 = arith.constant 575 : i32
      %min3A_664 = vector.broadcast %min3A_663 : i32 to vector<16xi32>
      %min3A_665 = arith.minsi %add3A_662, %min3A_664 : vector<16xi32>
      %add3A_666 = arith.addi %broadcast_in_dim3A_34, %add3A_656 : vector<16xi32>
      %gather3A_667 = tpu.vector_load_idx %arg5[%add3A_666] : memref<3456xf32, #tpu.memory_space<vmem>>[vector<16xi32>], vector<16xf32>,
      %add3A_668 = arith.addi %broadcast_in_dim3A_34, %add3A_659 : vector<16xi32>
      %gather3A_669 = tpu.vector_load_idx %arg5[%add3A_668] : memref<3456xf32, #tpu.memory_space<vmem>>[vector<16xi32>], vector<16xf32>,
      %lt3A_670 = arith.constant 4 : i32
      %lt3A_671 = vector.broadcast %lt3A_670 : i32 to vector<16xi32>
      %lt3A_672 = arith.cmpi slt, %iota3A, %lt3A_671 : vector<16xi32>
      %add3A_673 = arith.addi %broadcast_in_dim3A_34, %min3A_665 : vector<16xi32>
      %gather3A_674 = tpu.vector_load_idx %arg5[%add3A_673] : memref<3456xf32, #tpu.memory_space<vmem>>[vector<16xi32>], vector<16xf32>,
      %select_n3A_675 = arith.select %lt3A_672, %gather3A_674, %broadcast_in_dim3A_5 : vector<16xi1>, vector<16xf32>
      %max3A_676 = arith.maximumf %gather3A_667, %gather3A_669 : vector<16xf32>
      %max3A_677 = arith.maximumf %max3A_676, %select_n3A_675 : vector<16xf32>
      %reduce_max3A_678 = arith.constant true
      %reduce_max3A_679 = vector.broadcast %reduce_max3A_678 : i1 to vector<16xi1>
      %reduce_max3A_680 = tpu.scan <max>, %max3A_677 masked %reduce_max3A_679 : vector<16xf32>, vector<16xi1> -> vector<16xf32>
      %reduce_max3A_681 = vector.extract %reduce_max3A_680[15] : f32 from vector<16xf32>
      %eq3A_682 = vector.broadcast %reduce_max3A_681 : f32 to vector<16xf32>
      %eq3A_683 = arith.cmpf oeq, %gather3A_667, %eq3A_682 : vector<16xf32>
      %select_n3A_684 = arith.select %eq3A_683, %add3A_656, %broadcast_in_dim3A_7 : vector<16xi1>, vector<16xi32>
      %eq3A_685 = vector.broadcast %reduce_max3A_681 : f32 to vector<16xf32>
      %eq3A_686 = arith.cmpf oeq, %gather3A_669, %eq3A_685 : vector<16xf32>
      %select_n3A_687 = arith.select %eq3A_686, %add3A_659, %broadcast_in_dim3A_7 : vector<16xi1>, vector<16xi32>
      %eq3A_688 = vector.broadcast %reduce_max3A_681 : f32 to vector<16xf32>
      %eq3A_689 = arith.cmpf oeq, %select_n3A_675, %eq3A_688 : vector<16xf32>
      %select_n3A_690 = arith.select %eq3A_689, %min3A_665, %broadcast_in_dim3A_7 : vector<16xi1>, vector<16xi32>
      %min3A_691 = arith.minsi %select_n3A_684, %select_n3A_687 : vector<16xi32>
      %min3A_692 = arith.minsi %min3A_691, %select_n3A_690 : vector<16xi32>
      %reduce_min3A_693 = arith.constant true
      %reduce_min3A_694 = vector.broadcast %reduce_min3A_693 : i1 to vector<16xi1>
      %reduce_min3A_695 = tpu.scan <min>, %min3A_692 masked %reduce_min3A_694 : vector<16xi32>, vector<16xi1> -> vector<16xi32>
      %reduce_min3A_696 = vector.extract %reduce_min3A_695[15] : i32 from vector<16xi32>
      %add3A_697 = vector.broadcast %reduce_min3A_696 : i32 to vector<16xi32>
      %add3A_698 = arith.addi %add3A_697, %broadcast_in_dim3A_0 : vector<16xi32>
      %eq3A_699 = arith.cmpi eq, %iota3A, %and3A_652 : vector<16xi32>
      %broadcast_in_dim3A_700 = vector.broadcast %reduce_max3A_681 : f32 to vector<16xf32>
      %select_n3A_701 = arith.select %eq3A_699, %broadcast_in_dim3A_700, %select_n3A_553 : vector<16xi1>, vector<16xf32>
      %select_n3A_702 = arith.select %eq3A_699, %add3A_698, %select_n3A_554 : vector<16xi1>, vector<16xi32>
      %reduce_max3A_703 = arith.constant true
      %reduce_max3A_704 = vector.broadcast %reduce_max3A_703 : i1 to vector<16xi1>
      %reduce_max3A_705 = tpu.scan <max>, %select_n3A_627 masked %reduce_max3A_704 : vector<16xf32>, vector<16xi1> -> vector<16xf32>
      %reduce_max3A_706 = vector.extract %reduce_max3A_705[15] : f32 from vector<16xf32>
      %eq3A_707 = vector.broadcast %reduce_max3A_706 : f32 to vector<16xf32>
      %eq3A_708 = arith.cmpf oeq, %select_n3A_627, %eq3A_707 : vector<16xf32>
      %select_n3A_709 = arith.select %eq3A_708, %select_n3A_628, %broadcast_in_dim3A_7 : vector<16xi1>, vector<16xi32>
      %reduce_min3A_710 = arith.constant true
      %reduce_min3A_711 = vector.broadcast %reduce_min3A_710 : i1 to vector<16xi1>
      %reduce_min3A_712 = tpu.scan <min>, %select_n3A_709 masked %reduce_min3A_711 : vector<16xi32>, vector<16xi1> -> vector<16xi32>
      %reduce_min3A_713 = vector.extract %reduce_min3A_712[15] : i32 from vector<16xi32>
      %add3A_714 = vector.broadcast %reduce_min3A_713 : i32 to vector<16xi32>
      %add3A_715 = arith.addi %add3A_714, %broadcast_in_dim3A_0 : vector<16xi32>
      %eq3A_716 = arith.constant 4 : i32
      %eq3A_717 = vector.broadcast %eq3A_716 : i32 to vector<16xi32>
      %eq3A_718 = arith.cmpi eq, %iota3A, %eq3A_717 : vector<16xi32>
      %select_n3A_719 = arith.select %eq3A_718, %add3A_715, %select_n3A_571 : vector<16xi1>, vector<16xi32>
      %add3A_720 = arith.addi %broadcast_in_dim3A_35, %add3A_715 : vector<16xi32>
      %eq3A_721 = arith.constant 0 : i32
      %eq3A_722 = vector.broadcast %eq3A_721 : i32 to vector<16xi32>
      %eq3A_723 = arith.cmpi eq, %iota3A, %eq3A_722 : vector<16xi32>
      tpu.vector_store_idx %arg5[%add3A_720], %broadcast_in_dim3A_5 masked %eq3A_723 : memref<3456xf32, #tpu.memory_space<vmem>>[vector<16xi32>], vector<16xf32>, vector<16xi1>
      %and3A_724 = arith.constant 15 : i32
      %and3A_725 = vector.broadcast %and3A_724 : i32 to vector<16xi32>
      %and3A_726 = arith.andi %add3A_715, %and3A_725 : vector<16xi32>
      %mul3A_727 = arith.constant 16 : i32
      %mul3A_728 = vector.broadcast %mul3A_727 : i32 to vector<16xi32>
      %mul3A_729 = arith.muli %mul3A_728, %iota3A : vector<16xi32>
      %add3A_730 = arith.addi %and3A_726, %mul3A_729 : vector<16xi32>
      %add3A_731 = arith.constant 256 : i32
      %add3A_732 = vector.broadcast %add3A_731 : i32 to vector<16xi32>
      %add3A_733 = arith.addi %add3A_730, %add3A_732 : vector<16xi32>
      %add3A_734 = arith.constant 512 : i32
      %add3A_735 = vector.broadcast %add3A_734 : i32 to vector<16xi32>
      %add3A_736 = arith.addi %add3A_730, %add3A_735 : vector<16xi32>
      %min3A_737 = arith.constant 575 : i32
      %min3A_738 = vector.broadcast %min3A_737 : i32 to vector<16xi32>
      %min3A_739 = arith.minsi %add3A_736, %min3A_738 : vector<16xi32>
      %add3A_740 = arith.addi %broadcast_in_dim3A_35, %add3A_730 : vector<16xi32>
      %gather3A_741 = tpu.vector_load_idx %arg5[%add3A_740] : memref<3456xf32, #tpu.memory_space<vmem>>[vector<16xi32>], vector<16xf32>,
      %add3A_742 = arith.addi %broadcast_in_dim3A_35, %add3A_733 : vector<16xi32>
      %gather3A_743 = tpu.vector_load_idx %arg5[%add3A_742] : memref<3456xf32, #tpu.memory_space<vmem>>[vector<16xi32>], vector<16xf32>,
      %lt3A_744 = arith.constant 4 : i32
      %lt3A_745 = vector.broadcast %lt3A_744 : i32 to vector<16xi32>
      %lt3A_746 = arith.cmpi slt, %iota3A, %lt3A_745 : vector<16xi32>
      %add3A_747 = arith.addi %broadcast_in_dim3A_35, %min3A_739 : vector<16xi32>
      %gather3A_748 = tpu.vector_load_idx %arg5[%add3A_747] : memref<3456xf32, #tpu.memory_space<vmem>>[vector<16xi32>], vector<16xf32>,
      %select_n3A_749 = arith.select %lt3A_746, %gather3A_748, %broadcast_in_dim3A_5 : vector<16xi1>, vector<16xf32>
      %max3A_750 = arith.maximumf %gather3A_741, %gather3A_743 : vector<16xf32>
      %max3A_751 = arith.maximumf %max3A_750, %select_n3A_749 : vector<16xf32>
      %reduce_max3A_752 = arith.constant true
      %reduce_max3A_753 = vector.broadcast %reduce_max3A_752 : i1 to vector<16xi1>
      %reduce_max3A_754 = tpu.scan <max>, %max3A_751 masked %reduce_max3A_753 : vector<16xf32>, vector<16xi1> -> vector<16xf32>
      %reduce_max3A_755 = vector.extract %reduce_max3A_754[15] : f32 from vector<16xf32>
      %eq3A_756 = vector.broadcast %reduce_max3A_755 : f32 to vector<16xf32>
      %eq3A_757 = arith.cmpf oeq, %gather3A_741, %eq3A_756 : vector<16xf32>
      %select_n3A_758 = arith.select %eq3A_757, %add3A_730, %broadcast_in_dim3A_7 : vector<16xi1>, vector<16xi32>
      %eq3A_759 = vector.broadcast %reduce_max3A_755 : f32 to vector<16xf32>
      %eq3A_760 = arith.cmpf oeq, %gather3A_743, %eq3A_759 : vector<16xf32>
      %select_n3A_761 = arith.select %eq3A_760, %add3A_733, %broadcast_in_dim3A_7 : vector<16xi1>, vector<16xi32>
      %eq3A_762 = vector.broadcast %reduce_max3A_755 : f32 to vector<16xf32>
      %eq3A_763 = arith.cmpf oeq, %select_n3A_749, %eq3A_762 : vector<16xf32>
      %select_n3A_764 = arith.select %eq3A_763, %min3A_739, %broadcast_in_dim3A_7 : vector<16xi1>, vector<16xi32>
      %min3A_765 = arith.minsi %select_n3A_758, %select_n3A_761 : vector<16xi32>
      %min3A_766 = arith.minsi %min3A_765, %select_n3A_764 : vector<16xi32>
      %reduce_min3A_767 = arith.constant true
      %reduce_min3A_768 = vector.broadcast %reduce_min3A_767 : i1 to vector<16xi1>
      %reduce_min3A_769 = tpu.scan <min>, %min3A_766 masked %reduce_min3A_768 : vector<16xi32>, vector<16xi1> -> vector<16xi32>
      %reduce_min3A_770 = vector.extract %reduce_min3A_769[15] : i32 from vector<16xi32>
      %add3A_771 = vector.broadcast %reduce_min3A_770 : i32 to vector<16xi32>
      %add3A_772 = arith.addi %add3A_771, %broadcast_in_dim3A_0 : vector<16xi32>
      %eq3A_773 = arith.cmpi eq, %iota3A, %and3A_726 : vector<16xi32>
      %broadcast_in_dim3A_774 = vector.broadcast %reduce_max3A_755 : f32 to vector<16xf32>
      %select_n3A_775 = arith.select %eq3A_773, %broadcast_in_dim3A_774, %select_n3A_627 : vector<16xi1>, vector<16xf32>
      %select_n3A_776 = arith.select %eq3A_773, %add3A_772, %select_n3A_628 : vector<16xi1>, vector<16xi32>
      %reduce_max3A_777 = arith.constant true
      %reduce_max3A_778 = vector.broadcast %reduce_max3A_777 : i1 to vector<16xi1>
      %reduce_max3A_779 = tpu.scan <max>, %select_n3A_701 masked %reduce_max3A_778 : vector<16xf32>, vector<16xi1> -> vector<16xf32>
      %reduce_max3A_780 = vector.extract %reduce_max3A_779[15] : f32 from vector<16xf32>
      %eq3A_781 = vector.broadcast %reduce_max3A_780 : f32 to vector<16xf32>
      %eq3A_782 = arith.cmpf oeq, %select_n3A_701, %eq3A_781 : vector<16xf32>
      %select_n3A_783 = arith.select %eq3A_782, %select_n3A_702, %broadcast_in_dim3A_7 : vector<16xi1>, vector<16xi32>
      %reduce_min3A_784 = arith.constant true
      %reduce_min3A_785 = vector.broadcast %reduce_min3A_784 : i1 to vector<16xi1>
      %reduce_min3A_786 = tpu.scan <min>, %select_n3A_783 masked %reduce_min3A_785 : vector<16xi32>, vector<16xi1> -> vector<16xi32>
      %reduce_min3A_787 = vector.extract %reduce_min3A_786[15] : i32 from vector<16xi32>
      %add3A_788 = vector.broadcast %reduce_min3A_787 : i32 to vector<16xi32>
      %add3A_789 = arith.addi %add3A_788, %broadcast_in_dim3A_0 : vector<16xi32>
      %eq3A_790 = arith.constant 5 : i32
      %eq3A_791 = vector.broadcast %eq3A_790 : i32 to vector<16xi32>
      %eq3A_792 = arith.cmpi eq, %iota3A, %eq3A_791 : vector<16xi32>
      %select_n3A_793 = arith.select %eq3A_792, %add3A_789, %select_n3A_645 : vector<16xi1>, vector<16xi32>
      %add3A_794 = arith.addi %broadcast_in_dim3A_34, %add3A_789 : vector<16xi32>
      %eq3A_795 = arith.constant 0 : i32
      %eq3A_796 = vector.broadcast %eq3A_795 : i32 to vector<16xi32>
      %eq3A_797 = arith.cmpi eq, %iota3A, %eq3A_796 : vector<16xi32>
      tpu.vector_store_idx %arg5[%add3A_794], %broadcast_in_dim3A_5 masked %eq3A_797 : memref<3456xf32, #tpu.memory_space<vmem>>[vector<16xi32>], vector<16xf32>, vector<16xi1>
      %and3A_798 = arith.constant 15 : i32
      %and3A_799 = vector.broadcast %and3A_798 : i32 to vector<16xi32>
      %and3A_800 = arith.andi %add3A_789, %and3A_799 : vector<16xi32>
      %mul3A_801 = arith.constant 16 : i32
      %mul3A_802 = vector.broadcast %mul3A_801 : i32 to vector<16xi32>
      %mul3A_803 = arith.muli %mul3A_802, %iota3A : vector<16xi32>
      %add3A_804 = arith.addi %and3A_800, %mul3A_803 : vector<16xi32>
      %add3A_805 = arith.constant 256 : i32
      %add3A_806 = vector.broadcast %add3A_805 : i32 to vector<16xi32>
      %add3A_807 = arith.addi %add3A_804, %add3A_806 : vector<16xi32>
      %add3A_808 = arith.constant 512 : i32
      %add3A_809 = vector.broadcast %add3A_808 : i32 to vector<16xi32>
      %add3A_810 = arith.addi %add3A_804, %add3A_809 : vector<16xi32>
      %min3A_811 = arith.constant 575 : i32
      %min3A_812 = vector.broadcast %min3A_811 : i32 to vector<16xi32>
      %min3A_813 = arith.minsi %add3A_810, %min3A_812 : vector<16xi32>
      %add3A_814 = arith.addi %broadcast_in_dim3A_34, %add3A_804 : vector<16xi32>
      %gather3A_815 = tpu.vector_load_idx %arg5[%add3A_814] : memref<3456xf32, #tpu.memory_space<vmem>>[vector<16xi32>], vector<16xf32>,
      %add3A_816 = arith.addi %broadcast_in_dim3A_34, %add3A_807 : vector<16xi32>
      %gather3A_817 = tpu.vector_load_idx %arg5[%add3A_816] : memref<3456xf32, #tpu.memory_space<vmem>>[vector<16xi32>], vector<16xf32>,
      %lt3A_818 = arith.constant 4 : i32
      %lt3A_819 = vector.broadcast %lt3A_818 : i32 to vector<16xi32>
      %lt3A_820 = arith.cmpi slt, %iota3A, %lt3A_819 : vector<16xi32>
      %add3A_821 = arith.addi %broadcast_in_dim3A_34, %min3A_813 : vector<16xi32>
      %gather3A_822 = tpu.vector_load_idx %arg5[%add3A_821] : memref<3456xf32, #tpu.memory_space<vmem>>[vector<16xi32>], vector<16xf32>,
      %select_n3A_823 = arith.select %lt3A_820, %gather3A_822, %broadcast_in_dim3A_5 : vector<16xi1>, vector<16xf32>
      %max3A_824 = arith.maximumf %gather3A_815, %gather3A_817 : vector<16xf32>
      %max3A_825 = arith.maximumf %max3A_824, %select_n3A_823 : vector<16xf32>
      %reduce_max3A_826 = arith.constant true
      %reduce_max3A_827 = vector.broadcast %reduce_max3A_826 : i1 to vector<16xi1>
      %reduce_max3A_828 = tpu.scan <max>, %max3A_825 masked %reduce_max3A_827 : vector<16xf32>, vector<16xi1> -> vector<16xf32>
      %reduce_max3A_829 = vector.extract %reduce_max3A_828[15] : f32 from vector<16xf32>
      %eq3A_830 = vector.broadcast %reduce_max3A_829 : f32 to vector<16xf32>
      %eq3A_831 = arith.cmpf oeq, %gather3A_815, %eq3A_830 : vector<16xf32>
      %select_n3A_832 = arith.select %eq3A_831, %add3A_804, %broadcast_in_dim3A_7 : vector<16xi1>, vector<16xi32>
      %eq3A_833 = vector.broadcast %reduce_max3A_829 : f32 to vector<16xf32>
      %eq3A_834 = arith.cmpf oeq, %gather3A_817, %eq3A_833 : vector<16xf32>
      %select_n3A_835 = arith.select %eq3A_834, %add3A_807, %broadcast_in_dim3A_7 : vector<16xi1>, vector<16xi32>
      %eq3A_836 = vector.broadcast %reduce_max3A_829 : f32 to vector<16xf32>
      %eq3A_837 = arith.cmpf oeq, %select_n3A_823, %eq3A_836 : vector<16xf32>
      %select_n3A_838 = arith.select %eq3A_837, %min3A_813, %broadcast_in_dim3A_7 : vector<16xi1>, vector<16xi32>
      %min3A_839 = arith.minsi %select_n3A_832, %select_n3A_835 : vector<16xi32>
      %min3A_840 = arith.minsi %min3A_839, %select_n3A_838 : vector<16xi32>
      %reduce_min3A_841 = arith.constant true
      %reduce_min3A_842 = vector.broadcast %reduce_min3A_841 : i1 to vector<16xi1>
      %reduce_min3A_843 = tpu.scan <min>, %min3A_840 masked %reduce_min3A_842 : vector<16xi32>, vector<16xi1> -> vector<16xi32>
      %reduce_min3A_844 = vector.extract %reduce_min3A_843[15] : i32 from vector<16xi32>
      %add3A_845 = vector.broadcast %reduce_min3A_844 : i32 to vector<16xi32>
      %add3A_846 = arith.addi %add3A_845, %broadcast_in_dim3A_0 : vector<16xi32>
      %eq3A_847 = arith.cmpi eq, %iota3A, %and3A_800 : vector<16xi32>
      %broadcast_in_dim3A_848 = vector.broadcast %reduce_max3A_829 : f32 to vector<16xf32>
      %select_n3A_849 = arith.select %eq3A_847, %broadcast_in_dim3A_848, %select_n3A_701 : vector<16xi1>, vector<16xf32>
      %select_n3A_850 = arith.select %eq3A_847, %add3A_846, %select_n3A_702 : vector<16xi1>, vector<16xi32>
      %reduce_max3A_851 = arith.constant true
      %reduce_max3A_852 = vector.broadcast %reduce_max3A_851 : i1 to vector<16xi1>
      %reduce_max3A_853 = tpu.scan <max>, %select_n3A_775 masked %reduce_max3A_852 : vector<16xf32>, vector<16xi1> -> vector<16xf32>
      %reduce_max3A_854 = vector.extract %reduce_max3A_853[15] : f32 from vector<16xf32>
      %eq3A_855 = vector.broadcast %reduce_max3A_854 : f32 to vector<16xf32>
      %eq3A_856 = arith.cmpf oeq, %select_n3A_775, %eq3A_855 : vector<16xf32>
      %select_n3A_857 = arith.select %eq3A_856, %select_n3A_776, %broadcast_in_dim3A_7 : vector<16xi1>, vector<16xi32>
      %reduce_min3A_858 = arith.constant true
      %reduce_min3A_859 = vector.broadcast %reduce_min3A_858 : i1 to vector<16xi1>
      %reduce_min3A_860 = tpu.scan <min>, %select_n3A_857 masked %reduce_min3A_859 : vector<16xi32>, vector<16xi1> -> vector<16xi32>
      %reduce_min3A_861 = vector.extract %reduce_min3A_860[15] : i32 from vector<16xi32>
      %add3A_862 = vector.broadcast %reduce_min3A_861 : i32 to vector<16xi32>
      %add3A_863 = arith.addi %add3A_862, %broadcast_in_dim3A_0 : vector<16xi32>
      %eq3A_864 = arith.constant 5 : i32
      %eq3A_865 = vector.broadcast %eq3A_864 : i32 to vector<16xi32>
      %eq3A_866 = arith.cmpi eq, %iota3A, %eq3A_865 : vector<16xi32>
      %select_n3A_867 = arith.select %eq3A_866, %add3A_863, %select_n3A_719 : vector<16xi1>, vector<16xi32>
      %add3A_868 = arith.addi %broadcast_in_dim3A_35, %add3A_863 : vector<16xi32>
      %eq3A_869 = arith.constant 0 : i32
      %eq3A_870 = vector.broadcast %eq3A_869 : i32 to vector<16xi32>
      %eq3A_871 = arith.cmpi eq, %iota3A, %eq3A_870 : vector<16xi32>
      tpu.vector_store_idx %arg5[%add3A_868], %broadcast_in_dim3A_5 masked %eq3A_871 : memref<3456xf32, #tpu.memory_space<vmem>>[vector<16xi32>], vector<16xf32>, vector<16xi1>
      %and3A_872 = arith.constant 15 : i32
      %and3A_873 = vector.broadcast %and3A_872 : i32 to vector<16xi32>
      %and3A_874 = arith.andi %add3A_863, %and3A_873 : vector<16xi32>
      %mul3A_875 = arith.constant 16 : i32
      %mul3A_876 = vector.broadcast %mul3A_875 : i32 to vector<16xi32>
      %mul3A_877 = arith.muli %mul3A_876, %iota3A : vector<16xi32>
      %add3A_878 = arith.addi %and3A_874, %mul3A_877 : vector<16xi32>
      %add3A_879 = arith.constant 256 : i32
      %add3A_880 = vector.broadcast %add3A_879 : i32 to vector<16xi32>
      %add3A_881 = arith.addi %add3A_878, %add3A_880 : vector<16xi32>
      %add3A_882 = arith.constant 512 : i32
      %add3A_883 = vector.broadcast %add3A_882 : i32 to vector<16xi32>
      %add3A_884 = arith.addi %add3A_878, %add3A_883 : vector<16xi32>
      %min3A_885 = arith.constant 575 : i32
      %min3A_886 = vector.broadcast %min3A_885 : i32 to vector<16xi32>
      %min3A_887 = arith.minsi %add3A_884, %min3A_886 : vector<16xi32>
      %add3A_888 = arith.addi %broadcast_in_dim3A_35, %add3A_878 : vector<16xi32>
      %gather3A_889 = tpu.vector_load_idx %arg5[%add3A_888] : memref<3456xf32, #tpu.memory_space<vmem>>[vector<16xi32>], vector<16xf32>,
      %add3A_890 = arith.addi %broadcast_in_dim3A_35, %add3A_881 : vector<16xi32>
      %gather3A_891 = tpu.vector_load_idx %arg5[%add3A_890] : memref<3456xf32, #tpu.memory_space<vmem>>[vector<16xi32>], vector<16xf32>,
      %lt3A_892 = arith.constant 4 : i32
      %lt3A_893 = vector.broadcast %lt3A_892 : i32 to vector<16xi32>
      %lt3A_894 = arith.cmpi slt, %iota3A, %lt3A_893 : vector<16xi32>
      %add3A_895 = arith.addi %broadcast_in_dim3A_35, %min3A_887 : vector<16xi32>
      %gather3A_896 = tpu.vector_load_idx %arg5[%add3A_895] : memref<3456xf32, #tpu.memory_space<vmem>>[vector<16xi32>], vector<16xf32>,
      %select_n3A_897 = arith.select %lt3A_894, %gather3A_896, %broadcast_in_dim3A_5 : vector<16xi1>, vector<16xf32>
      %max3A_898 = arith.maximumf %gather3A_889, %gather3A_891 : vector<16xf32>
      %max3A_899 = arith.maximumf %max3A_898, %select_n3A_897 : vector<16xf32>
      %reduce_max3A_900 = arith.constant true
      %reduce_max3A_901 = vector.broadcast %reduce_max3A_900 : i1 to vector<16xi1>
      %reduce_max3A_902 = tpu.scan <max>, %max3A_899 masked %reduce_max3A_901 : vector<16xf32>, vector<16xi1> -> vector<16xf32>
      %reduce_max3A_903 = vector.extract %reduce_max3A_902[15] : f32 from vector<16xf32>
      %eq3A_904 = vector.broadcast %reduce_max3A_903 : f32 to vector<16xf32>
      %eq3A_905 = arith.cmpf oeq, %gather3A_889, %eq3A_904 : vector<16xf32>
      %select_n3A_906 = arith.select %eq3A_905, %add3A_878, %broadcast_in_dim3A_7 : vector<16xi1>, vector<16xi32>
      %eq3A_907 = vector.broadcast %reduce_max3A_903 : f32 to vector<16xf32>
      %eq3A_908 = arith.cmpf oeq, %gather3A_891, %eq3A_907 : vector<16xf32>
      %select_n3A_909 = arith.select %eq3A_908, %add3A_881, %broadcast_in_dim3A_7 : vector<16xi1>, vector<16xi32>
      %eq3A_910 = vector.broadcast %reduce_max3A_903 : f32 to vector<16xf32>
      %eq3A_911 = arith.cmpf oeq, %select_n3A_897, %eq3A_910 : vector<16xf32>
      %select_n3A_912 = arith.select %eq3A_911, %min3A_887, %broadcast_in_dim3A_7 : vector<16xi1>, vector<16xi32>
      %min3A_913 = arith.minsi %select_n3A_906, %select_n3A_909 : vector<16xi32>
      %min3A_914 = arith.minsi %min3A_913, %select_n3A_912 : vector<16xi32>
      %reduce_min3A_915 = arith.constant true
      %reduce_min3A_916 = vector.broadcast %reduce_min3A_915 : i1 to vector<16xi1>
      %reduce_min3A_917 = tpu.scan <min>, %min3A_914 masked %reduce_min3A_916 : vector<16xi32>, vector<16xi1> -> vector<16xi32>
      %reduce_min3A_918 = vector.extract %reduce_min3A_917[15] : i32 from vector<16xi32>
      %add3A_919 = vector.broadcast %reduce_min3A_918 : i32 to vector<16xi32>
      %add3A_920 = arith.addi %add3A_919, %broadcast_in_dim3A_0 : vector<16xi32>
      %eq3A_921 = arith.cmpi eq, %iota3A, %and3A_874 : vector<16xi32>
      %broadcast_in_dim3A_922 = vector.broadcast %reduce_max3A_903 : f32 to vector<16xf32>
      %select_n3A_923 = arith.select %eq3A_921, %broadcast_in_dim3A_922, %select_n3A_775 : vector<16xi1>, vector<16xf32>
      %select_n3A_924 = arith.select %eq3A_921, %add3A_920, %select_n3A_776 : vector<16xi1>, vector<16xi32>
      %reduce_max3A_925 = arith.constant true
      %reduce_max3A_926 = vector.broadcast %reduce_max3A_925 : i1 to vector<16xi1>
      %reduce_max3A_927 = tpu.scan <max>, %select_n3A_849 masked %reduce_max3A_926 : vector<16xf32>, vector<16xi1> -> vector<16xf32>
      %reduce_max3A_928 = vector.extract %reduce_max3A_927[15] : f32 from vector<16xf32>
      %eq3A_929 = vector.broadcast %reduce_max3A_928 : f32 to vector<16xf32>
      %eq3A_930 = arith.cmpf oeq, %select_n3A_849, %eq3A_929 : vector<16xf32>
      %select_n3A_931 = arith.select %eq3A_930, %select_n3A_850, %broadcast_in_dim3A_7 : vector<16xi1>, vector<16xi32>
      %reduce_min3A_932 = arith.constant true
      %reduce_min3A_933 = vector.broadcast %reduce_min3A_932 : i1 to vector<16xi1>
      %reduce_min3A_934 = tpu.scan <min>, %select_n3A_931 masked %reduce_min3A_933 : vector<16xi32>, vector<16xi1> -> vector<16xi32>
      %reduce_min3A_935 = vector.extract %reduce_min3A_934[15] : i32 from vector<16xi32>
      %add3A_936 = vector.broadcast %reduce_min3A_935 : i32 to vector<16xi32>
      %add3A_937 = arith.addi %add3A_936, %broadcast_in_dim3A_0 : vector<16xi32>
      %eq3A_938 = arith.constant 6 : i32
      %eq3A_939 = vector.broadcast %eq3A_938 : i32 to vector<16xi32>
      %eq3A_940 = arith.cmpi eq, %iota3A, %eq3A_939 : vector<16xi32>
      %select_n3A_941 = arith.select %eq3A_940, %add3A_937, %select_n3A_793 : vector<16xi1>, vector<16xi32>
      %add3A_942 = arith.addi %broadcast_in_dim3A_34, %add3A_937 : vector<16xi32>
      %eq3A_943 = arith.constant 0 : i32
      %eq3A_944 = vector.broadcast %eq3A_943 : i32 to vector<16xi32>
      %eq3A_945 = arith.cmpi eq, %iota3A, %eq3A_944 : vector<16xi32>
      tpu.vector_store_idx %arg5[%add3A_942], %broadcast_in_dim3A_5 masked %eq3A_945 : memref<3456xf32, #tpu.memory_space<vmem>>[vector<16xi32>], vector<16xf32>, vector<16xi1>
      %and3A_946 = arith.constant 15 : i32
      %and3A_947 = vector.broadcast %and3A_946 : i32 to vector<16xi32>
      %and3A_948 = arith.andi %add3A_937, %and3A_947 : vector<16xi32>
      %mul3A_949 = arith.constant 16 : i32
      %mul3A_950 = vector.broadcast %mul3A_949 : i32 to vector<16xi32>
      %mul3A_951 = arith.muli %mul3A_950, %iota3A : vector<16xi32>
      %add3A_952 = arith.addi %and3A_948, %mul3A_951 : vector<16xi32>
      %add3A_953 = arith.constant 256 : i32
      %add3A_954 = vector.broadcast %add3A_953 : i32 to vector<16xi32>
      %add3A_955 = arith.addi %add3A_952, %add3A_954 : vector<16xi32>
      %add3A_956 = arith.constant 512 : i32
      %add3A_957 = vector.broadcast %add3A_956 : i32 to vector<16xi32>
      %add3A_958 = arith.addi %add3A_952, %add3A_957 : vector<16xi32>
      %min3A_959 = arith.constant 575 : i32
      %min3A_960 = vector.broadcast %min3A_959 : i32 to vector<16xi32>
      %min3A_961 = arith.minsi %add3A_958, %min3A_960 : vector<16xi32>
      %add3A_962 = arith.addi %broadcast_in_dim3A_34, %add3A_952 : vector<16xi32>
      %gather3A_963 = tpu.vector_load_idx %arg5[%add3A_962] : memref<3456xf32, #tpu.memory_space<vmem>>[vector<16xi32>], vector<16xf32>,
      %add3A_964 = arith.addi %broadcast_in_dim3A_34, %add3A_955 : vector<16xi32>
      %gather3A_965 = tpu.vector_load_idx %arg5[%add3A_964] : memref<3456xf32, #tpu.memory_space<vmem>>[vector<16xi32>], vector<16xf32>,
      %lt3A_966 = arith.constant 4 : i32
      %lt3A_967 = vector.broadcast %lt3A_966 : i32 to vector<16xi32>
      %lt3A_968 = arith.cmpi slt, %iota3A, %lt3A_967 : vector<16xi32>
      %add3A_969 = arith.addi %broadcast_in_dim3A_34, %min3A_961 : vector<16xi32>
      %gather3A_970 = tpu.vector_load_idx %arg5[%add3A_969] : memref<3456xf32, #tpu.memory_space<vmem>>[vector<16xi32>], vector<16xf32>,
      %select_n3A_971 = arith.select %lt3A_968, %gather3A_970, %broadcast_in_dim3A_5 : vector<16xi1>, vector<16xf32>
      %max3A_972 = arith.maximumf %gather3A_963, %gather3A_965 : vector<16xf32>
      %max3A_973 = arith.maximumf %max3A_972, %select_n3A_971 : vector<16xf32>
      %reduce_max3A_974 = arith.constant true
      %reduce_max3A_975 = vector.broadcast %reduce_max3A_974 : i1 to vector<16xi1>
      %reduce_max3A_976 = tpu.scan <max>, %max3A_973 masked %reduce_max3A_975 : vector<16xf32>, vector<16xi1> -> vector<16xf32>
      %reduce_max3A_977 = vector.extract %reduce_max3A_976[15] : f32 from vector<16xf32>
      %eq3A_978 = vector.broadcast %reduce_max3A_977 : f32 to vector<16xf32>
      %eq3A_979 = arith.cmpf oeq, %gather3A_963, %eq3A_978 : vector<16xf32>
      %select_n3A_980 = arith.select %eq3A_979, %add3A_952, %broadcast_in_dim3A_7 : vector<16xi1>, vector<16xi32>
      %eq3A_981 = vector.broadcast %reduce_max3A_977 : f32 to vector<16xf32>
      %eq3A_982 = arith.cmpf oeq, %gather3A_965, %eq3A_981 : vector<16xf32>
      %select_n3A_983 = arith.select %eq3A_982, %add3A_955, %broadcast_in_dim3A_7 : vector<16xi1>, vector<16xi32>
      %eq3A_984 = vector.broadcast %reduce_max3A_977 : f32 to vector<16xf32>
      %eq3A_985 = arith.cmpf oeq, %select_n3A_971, %eq3A_984 : vector<16xf32>
      %select_n3A_986 = arith.select %eq3A_985, %min3A_961, %broadcast_in_dim3A_7 : vector<16xi1>, vector<16xi32>
      %min3A_987 = arith.minsi %select_n3A_980, %select_n3A_983 : vector<16xi32>
      %min3A_988 = arith.minsi %min3A_987, %select_n3A_986 : vector<16xi32>
      %reduce_min3A_989 = arith.constant true
      %reduce_min3A_990 = vector.broadcast %reduce_min3A_989 : i1 to vector<16xi1>
      %reduce_min3A_991 = tpu.scan <min>, %min3A_988 masked %reduce_min3A_990 : vector<16xi32>, vector<16xi1> -> vector<16xi32>
      %reduce_min3A_992 = vector.extract %reduce_min3A_991[15] : i32 from vector<16xi32>
      %add3A_993 = vector.broadcast %reduce_min3A_992 : i32 to vector<16xi32>
      %add3A_994 = arith.addi %add3A_993, %broadcast_in_dim3A_0 : vector<16xi32>
      %eq3A_995 = arith.cmpi eq, %iota3A, %and3A_948 : vector<16xi32>
      %broadcast_in_dim3A_996 = vector.broadcast %reduce_max3A_977 : f32 to vector<16xf32>
      %select_n3A_997 = arith.select %eq3A_995, %broadcast_in_dim3A_996, %select_n3A_849 : vector<16xi1>, vector<16xf32>
      %select_n3A_998 = arith.select %eq3A_995, %add3A_994, %select_n3A_850 : vector<16xi1>, vector<16xi32>
      %reduce_max3A_999 = arith.constant true
      %reduce_max3A_1000 = vector.broadcast %reduce_max3A_999 : i1 to vector<16xi1>
      %reduce_max3A_1001 = tpu.scan <max>, %select_n3A_923 masked %reduce_max3A_1000 : vector<16xf32>, vector<16xi1> -> vector<16xf32>
      %reduce_max3A_1002 = vector.extract %reduce_max3A_1001[15] : f32 from vector<16xf32>
      %eq3A_1003 = vector.broadcast %reduce_max3A_1002 : f32 to vector<16xf32>
      %eq3A_1004 = arith.cmpf oeq, %select_n3A_923, %eq3A_1003 : vector<16xf32>
      %select_n3A_1005 = arith.select %eq3A_1004, %select_n3A_924, %broadcast_in_dim3A_7 : vector<16xi1>, vector<16xi32>
      %reduce_min3A_1006 = arith.constant true
      %reduce_min3A_1007 = vector.broadcast %reduce_min3A_1006 : i1 to vector<16xi1>
      %reduce_min3A_1008 = tpu.scan <min>, %select_n3A_1005 masked %reduce_min3A_1007 : vector<16xi32>, vector<16xi1> -> vector<16xi32>
      %reduce_min3A_1009 = vector.extract %reduce_min3A_1008[15] : i32 from vector<16xi32>
      %add3A_1010 = vector.broadcast %reduce_min3A_1009 : i32 to vector<16xi32>
      %add3A_1011 = arith.addi %add3A_1010, %broadcast_in_dim3A_0 : vector<16xi32>
      %eq3A_1012 = arith.constant 6 : i32
      %eq3A_1013 = vector.broadcast %eq3A_1012 : i32 to vector<16xi32>
      %eq3A_1014 = arith.cmpi eq, %iota3A, %eq3A_1013 : vector<16xi32>
      %select_n3A_1015 = arith.select %eq3A_1014, %add3A_1011, %select_n3A_867 : vector<16xi1>, vector<16xi32>
      %add3A_1016 = arith.addi %broadcast_in_dim3A_35, %add3A_1011 : vector<16xi32>
      %eq3A_1017 = arith.constant 0 : i32
      %eq3A_1018 = vector.broadcast %eq3A_1017 : i32 to vector<16xi32>
      %eq3A_1019 = arith.cmpi eq, %iota3A, %eq3A_1018 : vector<16xi32>
      tpu.vector_store_idx %arg5[%add3A_1016], %broadcast_in_dim3A_5 masked %eq3A_1019 : memref<3456xf32, #tpu.memory_space<vmem>>[vector<16xi32>], vector<16xf32>, vector<16xi1>
      %and3A_1020 = arith.constant 15 : i32
      %and3A_1021 = vector.broadcast %and3A_1020 : i32 to vector<16xi32>
      %and3A_1022 = arith.andi %add3A_1011, %and3A_1021 : vector<16xi32>
      %mul3A_1023 = arith.constant 16 : i32
      %mul3A_1024 = vector.broadcast %mul3A_1023 : i32 to vector<16xi32>
      %mul3A_1025 = arith.muli %mul3A_1024, %iota3A : vector<16xi32>
      %add3A_1026 = arith.addi %and3A_1022, %mul3A_1025 : vector<16xi32>
      %add3A_1027 = arith.constant 256 : i32
      %add3A_1028 = vector.broadcast %add3A_1027 : i32 to vector<16xi32>
      %add3A_1029 = arith.addi %add3A_1026, %add3A_1028 : vector<16xi32>
      %add3A_1030 = arith.constant 512 : i32
      %add3A_1031 = vector.broadcast %add3A_1030 : i32 to vector<16xi32>
      %add3A_1032 = arith.addi %add3A_1026, %add3A_1031 : vector<16xi32>
      %min3A_1033 = arith.constant 575 : i32
      %min3A_1034 = vector.broadcast %min3A_1033 : i32 to vector<16xi32>
      %min3A_1035 = arith.minsi %add3A_1032, %min3A_1034 : vector<16xi32>
      %add3A_1036 = arith.addi %broadcast_in_dim3A_35, %add3A_1026 : vector<16xi32>
      %gather3A_1037 = tpu.vector_load_idx %arg5[%add3A_1036] : memref<3456xf32, #tpu.memory_space<vmem>>[vector<16xi32>], vector<16xf32>,
      %add3A_1038 = arith.addi %broadcast_in_dim3A_35, %add3A_1029 : vector<16xi32>
      %gather3A_1039 = tpu.vector_load_idx %arg5[%add3A_1038] : memref<3456xf32, #tpu.memory_space<vmem>>[vector<16xi32>], vector<16xf32>,
      %lt3A_1040 = arith.constant 4 : i32
      %lt3A_1041 = vector.broadcast %lt3A_1040 : i32 to vector<16xi32>
      %lt3A_1042 = arith.cmpi slt, %iota3A, %lt3A_1041 : vector<16xi32>
      %add3A_1043 = arith.addi %broadcast_in_dim3A_35, %min3A_1035 : vector<16xi32>
      %gather3A_1044 = tpu.vector_load_idx %arg5[%add3A_1043] : memref<3456xf32, #tpu.memory_space<vmem>>[vector<16xi32>], vector<16xf32>,
      %select_n3A_1045 = arith.select %lt3A_1042, %gather3A_1044, %broadcast_in_dim3A_5 : vector<16xi1>, vector<16xf32>
      %max3A_1046 = arith.maximumf %gather3A_1037, %gather3A_1039 : vector<16xf32>
      %max3A_1047 = arith.maximumf %max3A_1046, %select_n3A_1045 : vector<16xf32>
      %reduce_max3A_1048 = arith.constant true
      %reduce_max3A_1049 = vector.broadcast %reduce_max3A_1048 : i1 to vector<16xi1>
      %reduce_max3A_1050 = tpu.scan <max>, %max3A_1047 masked %reduce_max3A_1049 : vector<16xf32>, vector<16xi1> -> vector<16xf32>
      %reduce_max3A_1051 = vector.extract %reduce_max3A_1050[15] : f32 from vector<16xf32>
      %eq3A_1052 = vector.broadcast %reduce_max3A_1051 : f32 to vector<16xf32>
      %eq3A_1053 = arith.cmpf oeq, %gather3A_1037, %eq3A_1052 : vector<16xf32>
      %select_n3A_1054 = arith.select %eq3A_1053, %add3A_1026, %broadcast_in_dim3A_7 : vector<16xi1>, vector<16xi32>
      %eq3A_1055 = vector.broadcast %reduce_max3A_1051 : f32 to vector<16xf32>
      %eq3A_1056 = arith.cmpf oeq, %gather3A_1039, %eq3A_1055 : vector<16xf32>
      %select_n3A_1057 = arith.select %eq3A_1056, %add3A_1029, %broadcast_in_dim3A_7 : vector<16xi1>, vector<16xi32>
      %eq3A_1058 = vector.broadcast %reduce_max3A_1051 : f32 to vector<16xf32>
      %eq3A_1059 = arith.cmpf oeq, %select_n3A_1045, %eq3A_1058 : vector<16xf32>
      %select_n3A_1060 = arith.select %eq3A_1059, %min3A_1035, %broadcast_in_dim3A_7 : vector<16xi1>, vector<16xi32>
      %min3A_1061 = arith.minsi %select_n3A_1054, %select_n3A_1057 : vector<16xi32>
      %min3A_1062 = arith.minsi %min3A_1061, %select_n3A_1060 : vector<16xi32>
      %reduce_min3A_1063 = arith.constant true
      %reduce_min3A_1064 = vector.broadcast %reduce_min3A_1063 : i1 to vector<16xi1>
      %reduce_min3A_1065 = tpu.scan <min>, %min3A_1062 masked %reduce_min3A_1064 : vector<16xi32>, vector<16xi1> -> vector<16xi32>
      %reduce_min3A_1066 = vector.extract %reduce_min3A_1065[15] : i32 from vector<16xi32>
      %add3A_1067 = vector.broadcast %reduce_min3A_1066 : i32 to vector<16xi32>
      %add3A_1068 = arith.addi %add3A_1067, %broadcast_in_dim3A_0 : vector<16xi32>
      %eq3A_1069 = arith.cmpi eq, %iota3A, %and3A_1022 : vector<16xi32>
      %broadcast_in_dim3A_1070 = vector.broadcast %reduce_max3A_1051 : f32 to vector<16xf32>
      %select_n3A_1071 = arith.select %eq3A_1069, %broadcast_in_dim3A_1070, %select_n3A_923 : vector<16xi1>, vector<16xf32>
      %select_n3A_1072 = arith.select %eq3A_1069, %add3A_1068, %select_n3A_924 : vector<16xi1>, vector<16xi32>
      %reduce_max3A_1073 = arith.constant true
      %reduce_max3A_1074 = vector.broadcast %reduce_max3A_1073 : i1 to vector<16xi1>
      %reduce_max3A_1075 = tpu.scan <max>, %select_n3A_997 masked %reduce_max3A_1074 : vector<16xf32>, vector<16xi1> -> vector<16xf32>
      %reduce_max3A_1076 = vector.extract %reduce_max3A_1075[15] : f32 from vector<16xf32>
      %eq3A_1077 = vector.broadcast %reduce_max3A_1076 : f32 to vector<16xf32>
      %eq3A_1078 = arith.cmpf oeq, %select_n3A_997, %eq3A_1077 : vector<16xf32>
      %select_n3A_1079 = arith.select %eq3A_1078, %select_n3A_998, %broadcast_in_dim3A_7 : vector<16xi1>, vector<16xi32>
      %reduce_min3A_1080 = arith.constant true
      %reduce_min3A_1081 = vector.broadcast %reduce_min3A_1080 : i1 to vector<16xi1>
      %reduce_min3A_1082 = tpu.scan <min>, %select_n3A_1079 masked %reduce_min3A_1081 : vector<16xi32>, vector<16xi1> -> vector<16xi32>
      %reduce_min3A_1083 = vector.extract %reduce_min3A_1082[15] : i32 from vector<16xi32>
      %add3A_1084 = vector.broadcast %reduce_min3A_1083 : i32 to vector<16xi32>
      %add3A_1085 = arith.addi %add3A_1084, %broadcast_in_dim3A_0 : vector<16xi32>
      %eq3A_1086 = arith.constant 7 : i32
      %eq3A_1087 = vector.broadcast %eq3A_1086 : i32 to vector<16xi32>
      %eq3A_1088 = arith.cmpi eq, %iota3A, %eq3A_1087 : vector<16xi32>
      %select_n3A_1089 = arith.select %eq3A_1088, %add3A_1085, %select_n3A_941 : vector<16xi1>, vector<16xi32>
      %add3A_1090 = arith.addi %broadcast_in_dim3A_34, %add3A_1085 : vector<16xi32>
      %eq3A_1091 = arith.constant 0 : i32
      %eq3A_1092 = vector.broadcast %eq3A_1091 : i32 to vector<16xi32>
      %eq3A_1093 = arith.cmpi eq, %iota3A, %eq3A_1092 : vector<16xi32>
      tpu.vector_store_idx %arg5[%add3A_1090], %broadcast_in_dim3A_5 masked %eq3A_1093 : memref<3456xf32, #tpu.memory_space<vmem>>[vector<16xi32>], vector<16xf32>, vector<16xi1>
      %and3A_1094 = arith.constant 15 : i32
      %and3A_1095 = vector.broadcast %and3A_1094 : i32 to vector<16xi32>
      %and3A_1096 = arith.andi %add3A_1085, %and3A_1095 : vector<16xi32>
      %mul3A_1097 = arith.constant 16 : i32
      %mul3A_1098 = vector.broadcast %mul3A_1097 : i32 to vector<16xi32>
      %mul3A_1099 = arith.muli %mul3A_1098, %iota3A : vector<16xi32>
      %add3A_1100 = arith.addi %and3A_1096, %mul3A_1099 : vector<16xi32>
      %add3A_1101 = arith.constant 256 : i32
      %add3A_1102 = vector.broadcast %add3A_1101 : i32 to vector<16xi32>
      %add3A_1103 = arith.addi %add3A_1100, %add3A_1102 : vector<16xi32>
      %add3A_1104 = arith.constant 512 : i32
      %add3A_1105 = vector.broadcast %add3A_1104 : i32 to vector<16xi32>
      %add3A_1106 = arith.addi %add3A_1100, %add3A_1105 : vector<16xi32>
      %min3A_1107 = arith.constant 575 : i32
      %min3A_1108 = vector.broadcast %min3A_1107 : i32 to vector<16xi32>
      %min3A_1109 = arith.minsi %add3A_1106, %min3A_1108 : vector<16xi32>
      %add3A_1110 = arith.addi %broadcast_in_dim3A_34, %add3A_1100 : vector<16xi32>
      %gather3A_1111 = tpu.vector_load_idx %arg5[%add3A_1110] : memref<3456xf32, #tpu.memory_space<vmem>>[vector<16xi32>], vector<16xf32>,
      %add3A_1112 = arith.addi %broadcast_in_dim3A_34, %add3A_1103 : vector<16xi32>
      %gather3A_1113 = tpu.vector_load_idx %arg5[%add3A_1112] : memref<3456xf32, #tpu.memory_space<vmem>>[vector<16xi32>], vector<16xf32>,
      %lt3A_1114 = arith.constant 4 : i32
      %lt3A_1115 = vector.broadcast %lt3A_1114 : i32 to vector<16xi32>
      %lt3A_1116 = arith.cmpi slt, %iota3A, %lt3A_1115 : vector<16xi32>
      %add3A_1117 = arith.addi %broadcast_in_dim3A_34, %min3A_1109 : vector<16xi32>
      %gather3A_1118 = tpu.vector_load_idx %arg5[%add3A_1117] : memref<3456xf32, #tpu.memory_space<vmem>>[vector<16xi32>], vector<16xf32>,
      %select_n3A_1119 = arith.select %lt3A_1116, %gather3A_1118, %broadcast_in_dim3A_5 : vector<16xi1>, vector<16xf32>
      %max3A_1120 = arith.maximumf %gather3A_1111, %gather3A_1113 : vector<16xf32>
      %max3A_1121 = arith.maximumf %max3A_1120, %select_n3A_1119 : vector<16xf32>
      %reduce_max3A_1122 = arith.constant true
      %reduce_max3A_1123 = vector.broadcast %reduce_max3A_1122 : i1 to vector<16xi1>
      %reduce_max3A_1124 = tpu.scan <max>, %max3A_1121 masked %reduce_max3A_1123 : vector<16xf32>, vector<16xi1> -> vector<16xf32>
      %reduce_max3A_1125 = vector.extract %reduce_max3A_1124[15] : f32 from vector<16xf32>
      %eq3A_1126 = vector.broadcast %reduce_max3A_1125 : f32 to vector<16xf32>
      %eq3A_1127 = arith.cmpf oeq, %gather3A_1111, %eq3A_1126 : vector<16xf32>
      %select_n3A_1128 = arith.select %eq3A_1127, %add3A_1100, %broadcast_in_dim3A_7 : vector<16xi1>, vector<16xi32>
      %eq3A_1129 = vector.broadcast %reduce_max3A_1125 : f32 to vector<16xf32>
      %eq3A_1130 = arith.cmpf oeq, %gather3A_1113, %eq3A_1129 : vector<16xf32>
      %select_n3A_1131 = arith.select %eq3A_1130, %add3A_1103, %broadcast_in_dim3A_7 : vector<16xi1>, vector<16xi32>
      %eq3A_1132 = vector.broadcast %reduce_max3A_1125 : f32 to vector<16xf32>
      %eq3A_1133 = arith.cmpf oeq, %select_n3A_1119, %eq3A_1132 : vector<16xf32>
      %select_n3A_1134 = arith.select %eq3A_1133, %min3A_1109, %broadcast_in_dim3A_7 : vector<16xi1>, vector<16xi32>
      %min3A_1135 = arith.minsi %select_n3A_1128, %select_n3A_1131 : vector<16xi32>
      %min3A_1136 = arith.minsi %min3A_1135, %select_n3A_1134 : vector<16xi32>
      %reduce_min3A_1137 = arith.constant true
      %reduce_min3A_1138 = vector.broadcast %reduce_min3A_1137 : i1 to vector<16xi1>
      %reduce_min3A_1139 = tpu.scan <min>, %min3A_1136 masked %reduce_min3A_1138 : vector<16xi32>, vector<16xi1> -> vector<16xi32>
      %reduce_min3A_1140 = vector.extract %reduce_min3A_1139[15] : i32 from vector<16xi32>
      %add3A_1141 = vector.broadcast %reduce_min3A_1140 : i32 to vector<16xi32>
      %add3A_1142 = arith.addi %add3A_1141, %broadcast_in_dim3A_0 : vector<16xi32>
      %eq3A_1143 = arith.cmpi eq, %iota3A, %and3A_1096 : vector<16xi32>
      %broadcast_in_dim3A_1144 = vector.broadcast %reduce_max3A_1125 : f32 to vector<16xf32>
      %select_n3A_1145 = arith.select %eq3A_1143, %broadcast_in_dim3A_1144, %select_n3A_997 : vector<16xi1>, vector<16xf32>
      %select_n3A_1146 = arith.select %eq3A_1143, %add3A_1142, %select_n3A_998 : vector<16xi1>, vector<16xi32>
      %reduce_max3A_1147 = arith.constant true
      %reduce_max3A_1148 = vector.broadcast %reduce_max3A_1147 : i1 to vector<16xi1>
      %reduce_max3A_1149 = tpu.scan <max>, %select_n3A_1071 masked %reduce_max3A_1148 : vector<16xf32>, vector<16xi1> -> vector<16xf32>
      %reduce_max3A_1150 = vector.extract %reduce_max3A_1149[15] : f32 from vector<16xf32>
      %eq3A_1151 = vector.broadcast %reduce_max3A_1150 : f32 to vector<16xf32>
      %eq3A_1152 = arith.cmpf oeq, %select_n3A_1071, %eq3A_1151 : vector<16xf32>
      %select_n3A_1153 = arith.select %eq3A_1152, %select_n3A_1072, %broadcast_in_dim3A_7 : vector<16xi1>, vector<16xi32>
      %reduce_min3A_1154 = arith.constant true
      %reduce_min3A_1155 = vector.broadcast %reduce_min3A_1154 : i1 to vector<16xi1>
      %reduce_min3A_1156 = tpu.scan <min>, %select_n3A_1153 masked %reduce_min3A_1155 : vector<16xi32>, vector<16xi1> -> vector<16xi32>
      %reduce_min3A_1157 = vector.extract %reduce_min3A_1156[15] : i32 from vector<16xi32>
      %add3A_1158 = vector.broadcast %reduce_min3A_1157 : i32 to vector<16xi32>
      %add3A_1159 = arith.addi %add3A_1158, %broadcast_in_dim3A_0 : vector<16xi32>
      %eq3A_1160 = arith.constant 7 : i32
      %eq3A_1161 = vector.broadcast %eq3A_1160 : i32 to vector<16xi32>
      %eq3A_1162 = arith.cmpi eq, %iota3A, %eq3A_1161 : vector<16xi32>
      %select_n3A_1163 = arith.select %eq3A_1162, %add3A_1159, %select_n3A_1015 : vector<16xi1>, vector<16xi32>
      %add3A_1164 = arith.addi %broadcast_in_dim3A_35, %add3A_1159 : vector<16xi32>
      %eq3A_1165 = arith.constant 0 : i32
      %eq3A_1166 = vector.broadcast %eq3A_1165 : i32 to vector<16xi32>
      %eq3A_1167 = arith.cmpi eq, %iota3A, %eq3A_1166 : vector<16xi32>
      tpu.vector_store_idx %arg5[%add3A_1164], %broadcast_in_dim3A_5 masked %eq3A_1167 : memref<3456xf32, #tpu.memory_space<vmem>>[vector<16xi32>], vector<16xf32>, vector<16xi1>
      %and3A_1168 = arith.constant 15 : i32
      %and3A_1169 = vector.broadcast %and3A_1168 : i32 to vector<16xi32>
      %and3A_1170 = arith.andi %add3A_1159, %and3A_1169 : vector<16xi32>
      %mul3A_1171 = arith.constant 16 : i32
      %mul3A_1172 = vector.broadcast %mul3A_1171 : i32 to vector<16xi32>
      %mul3A_1173 = arith.muli %mul3A_1172, %iota3A : vector<16xi32>
      %add3A_1174 = arith.addi %and3A_1170, %mul3A_1173 : vector<16xi32>
      %add3A_1175 = arith.constant 256 : i32
      %add3A_1176 = vector.broadcast %add3A_1175 : i32 to vector<16xi32>
      %add3A_1177 = arith.addi %add3A_1174, %add3A_1176 : vector<16xi32>
      %add3A_1178 = arith.constant 512 : i32
      %add3A_1179 = vector.broadcast %add3A_1178 : i32 to vector<16xi32>
      %add3A_1180 = arith.addi %add3A_1174, %add3A_1179 : vector<16xi32>
      %min3A_1181 = arith.constant 575 : i32
      %min3A_1182 = vector.broadcast %min3A_1181 : i32 to vector<16xi32>
      %min3A_1183 = arith.minsi %add3A_1180, %min3A_1182 : vector<16xi32>
      %add3A_1184 = arith.addi %broadcast_in_dim3A_35, %add3A_1174 : vector<16xi32>
      %gather3A_1185 = tpu.vector_load_idx %arg5[%add3A_1184] : memref<3456xf32, #tpu.memory_space<vmem>>[vector<16xi32>], vector<16xf32>,
      %add3A_1186 = arith.addi %broadcast_in_dim3A_35, %add3A_1177 : vector<16xi32>
      %gather3A_1187 = tpu.vector_load_idx %arg5[%add3A_1186] : memref<3456xf32, #tpu.memory_space<vmem>>[vector<16xi32>], vector<16xf32>,
      %lt3A_1188 = arith.constant 4 : i32
      %lt3A_1189 = vector.broadcast %lt3A_1188 : i32 to vector<16xi32>
      %lt3A_1190 = arith.cmpi slt, %iota3A, %lt3A_1189 : vector<16xi32>
      %add3A_1191 = arith.addi %broadcast_in_dim3A_35, %min3A_1183 : vector<16xi32>
      %gather3A_1192 = tpu.vector_load_idx %arg5[%add3A_1191] : memref<3456xf32, #tpu.memory_space<vmem>>[vector<16xi32>], vector<16xf32>,
      %select_n3A_1193 = arith.select %lt3A_1190, %gather3A_1192, %broadcast_in_dim3A_5 : vector<16xi1>, vector<16xf32>
      %max3A_1194 = arith.maximumf %gather3A_1185, %gather3A_1187 : vector<16xf32>
      %max3A_1195 = arith.maximumf %max3A_1194, %select_n3A_1193 : vector<16xf32>
      %reduce_max3A_1196 = arith.constant true
      %reduce_max3A_1197 = vector.broadcast %reduce_max3A_1196 : i1 to vector<16xi1>
      %reduce_max3A_1198 = tpu.scan <max>, %max3A_1195 masked %reduce_max3A_1197 : vector<16xf32>, vector<16xi1> -> vector<16xf32>
      %reduce_max3A_1199 = vector.extract %reduce_max3A_1198[15] : f32 from vector<16xf32>
      %eq3A_1200 = vector.broadcast %reduce_max3A_1199 : f32 to vector<16xf32>
      %eq3A_1201 = arith.cmpf oeq, %gather3A_1185, %eq3A_1200 : vector<16xf32>
      %select_n3A_1202 = arith.select %eq3A_1201, %add3A_1174, %broadcast_in_dim3A_7 : vector<16xi1>, vector<16xi32>
      %eq3A_1203 = vector.broadcast %reduce_max3A_1199 : f32 to vector<16xf32>
      %eq3A_1204 = arith.cmpf oeq, %gather3A_1187, %eq3A_1203 : vector<16xf32>
      %select_n3A_1205 = arith.select %eq3A_1204, %add3A_1177, %broadcast_in_dim3A_7 : vector<16xi1>, vector<16xi32>
      %eq3A_1206 = vector.broadcast %reduce_max3A_1199 : f32 to vector<16xf32>
      %eq3A_1207 = arith.cmpf oeq, %select_n3A_1193, %eq3A_1206 : vector<16xf32>
      %select_n3A_1208 = arith.select %eq3A_1207, %min3A_1183, %broadcast_in_dim3A_7 : vector<16xi1>, vector<16xi32>
      %min3A_1209 = arith.minsi %select_n3A_1202, %select_n3A_1205 : vector<16xi32>
      %min3A_1210 = arith.minsi %min3A_1209, %select_n3A_1208 : vector<16xi32>
      %reduce_min3A_1211 = arith.constant true
      %reduce_min3A_1212 = vector.broadcast %reduce_min3A_1211 : i1 to vector<16xi1>
      %reduce_min3A_1213 = tpu.scan <min>, %min3A_1210 masked %reduce_min3A_1212 : vector<16xi32>, vector<16xi1> -> vector<16xi32>
      %reduce_min3A_1214 = vector.extract %reduce_min3A_1213[15] : i32 from vector<16xi32>
      %add3A_1215 = vector.broadcast %reduce_min3A_1214 : i32 to vector<16xi32>
      %add3A_1216 = arith.addi %add3A_1215, %broadcast_in_dim3A_0 : vector<16xi32>
      %eq3A_1217 = arith.cmpi eq, %iota3A, %and3A_1170 : vector<16xi32>
      %broadcast_in_dim3A_1218 = vector.broadcast %reduce_max3A_1199 : f32 to vector<16xf32>
      %select_n3A_1219 = arith.select %eq3A_1217, %broadcast_in_dim3A_1218, %select_n3A_1071 : vector<16xi1>, vector<16xf32>
      %select_n3A_1220 = arith.select %eq3A_1217, %add3A_1216, %select_n3A_1072 : vector<16xi1>, vector<16xi32>
      %mul3A_1221 = arith.constant 32 : i32
      %mul3A_1222 = arith.muli %scan3A_24, %mul3A_1221 : i32
      %multiple_of3A_1223 = tpu.assume_multiple %mul3A_1222, 16 : i32
      %swap3A = arith.index_cast %multiple_of3A_1223 : i32 to index
      %swap3A_1224 = tpu.vector_load %arg6[%swap3A] {strides = array<i32>} : memref<96xi32, #tpu.memory_space<vmem>>, vector<16xi32>,
      tpu.vector_store %arg6[%swap3A], %select_n3A_1089 {strides = array<i32>} : memref<96xi32, #tpu.memory_space<vmem>>, vector<16xi32>,
      %add3A_1225 = arith.constant 16 : i32
      %add3A_1226 = arith.addi %multiple_of3A_1223, %add3A_1225 : i32
      %swap3A_1227 = arith.index_cast %add3A_1226 : i32 to index
      %swap3A_1228 = tpu.vector_load %arg6[%swap3A_1227] {strides = array<i32>} : memref<96xi32, #tpu.memory_space<vmem>>, vector<16xi32>,
      tpu.vector_store %arg6[%swap3A_1227], %select_n3A_1163 {strides = array<i32>} : memref<96xi32, #tpu.memory_space<vmem>>, vector<16xi32>,
      %scan3A_1229 = arith.constant 0 : i32
      scf.yield %scan3A_1229 : i32
    }
    %scan3A_18 = arith.constant 3 : i32
    %mul3A_19 = arith.constant 96 : i32
    %mul3A_20 = arith.muli %arg1, %mul3A_19 : i32
    %multiple_of3A_21 = tpu.assume_multiple %mul3A_20, 16 : i32
    "tpu.region"() ({
      %run_scoped3A = tpu.sem_alloc : memref<!tpu.dma_semaphore, #tpu.memory_space<semaphore_mem>>
      %dma_start3A = tpu.memref_slice %arg12[%multiple_of3A_21] : memref<1536xi32, #tpu.memory_space<vmem_shared>> -> memref<96xi32, #tpu.memory_space<vmem_shared>>
      %dma_start3A_24 = tpu.memref_slice %arg12[%multiple_of3A_21] : memref<1536xi32, #tpu.memory_space<vmem_shared>> -> memref<96xi32, #tpu.memory_space<vmem_shared>>
      tpu.enqueue_dma source(%arg6 : memref<96xi32, #tpu.memory_space<vmem>>) target(%dma_start3A_24 : memref<96xi32, #tpu.memory_space<vmem_shared>>) target_semaphore(%run_scoped3A : memref<!tpu.dma_semaphore, #tpu.memory_space<semaphore_mem>>)
      %dma_wait3A = tpu.memref_slice %arg12[%multiple_of3A_21] : memref<1536xi32, #tpu.memory_space<vmem_shared>> -> memref<96xi32, #tpu.memory_space<vmem_shared>>
      %dma_wait3A_25 = tpu.memref_slice %arg12[%multiple_of3A_21] : memref<1536xi32, #tpu.memory_space<vmem_shared>> -> memref<96xi32, #tpu.memory_space<vmem_shared>>
      tpu.wait_dma2 semaphore(%run_scoped3A : memref<!tpu.dma_semaphore, #tpu.memory_space<semaphore_mem>>) src(%arg6 : memref<96xi32, #tpu.memory_space<vmem>>) dst(%dma_wait3A_25 : memref<96xi32, #tpu.memory_space<vmem_shared>>)
      tpu.yield
    }) : () -> ()
    %barrier3A = arith.constant 0 : index
    tpu.barrier barrier_id(%barrier3A)
    %eq3A = arith.constant 0 : i32
    %eq3A_22 = arith.cmpi eq, %and3A_3, %eq3A : i32
    %convert_element_type3A = arith.extui %eq3A_22 : i1 to i32
    %cond3A = arith.constant 0 : i32
    %cond3A_23 = arith.cmpi ne, %convert_element_type3A, %cond3A : i32
    scf.if %cond3A_23 {
      %add3A_24 = arith.constant 1 : i32
      %add3A_25 = arith.addi %arg1, %add3A_24 : i32
      %mul3A_26 = arith.constant 96 : i32
      %mul3A_27 = arith.muli %add3A_25, %mul3A_26 : i32
      %multiple_of3A_28 = tpu.assume_multiple %mul3A_27, 16 : i32
      "tpu.region"() ({
        %run_scoped3A = tpu.sem_alloc : memref<!tpu.dma_semaphore, #tpu.memory_space<semaphore_mem>>
        %dma_start3A = tpu.memref_slice %arg12[%multiple_of3A_28] : memref<1536xi32, #tpu.memory_space<vmem_shared>> -> memref<96xi32, #tpu.memory_space<vmem_shared>>
        %dma_start3A_79 = tpu.memref_slice %arg12[%multiple_of3A_28] : memref<1536xi32, #tpu.memory_space<vmem_shared>> -> memref<96xi32, #tpu.memory_space<vmem_shared>>
        tpu.enqueue_dma source(%dma_start3A_79 : memref<96xi32, #tpu.memory_space<vmem_shared>>) target(%arg7 : memref<96xi32, #tpu.memory_space<vmem>>) target_semaphore(%run_scoped3A : memref<!tpu.dma_semaphore, #tpu.memory_space<semaphore_mem>>)
        %dma_wait3A = tpu.memref_slice %arg12[%multiple_of3A_28] : memref<1536xi32, #tpu.memory_space<vmem_shared>> -> memref<96xi32, #tpu.memory_space<vmem_shared>>
        %dma_wait3A_80 = tpu.memref_slice %arg12[%multiple_of3A_28] : memref<1536xi32, #tpu.memory_space<vmem_shared>> -> memref<96xi32, #tpu.memory_space<vmem_shared>>
        tpu.wait_dma2 semaphore(%run_scoped3A : memref<!tpu.dma_semaphore, #tpu.memory_space<semaphore_mem>>) src(%dma_wait3A_80 : memref<96xi32, #tpu.memory_space<vmem_shared>>) dst(%arg7 : memref<96xi32, #tpu.memory_space<vmem>>)
        tpu.yield
      }) : () -> ()
      %scan3A_29 = arith.constant 0 : i32
      %scan3A_30 = arith.constant 0 : i32
      %scan3A_31 = arith.constant 38 : i32
      %scan3A_32 = arith.addi %scan3A_30, %scan3A_31 : i32
      %scan3A_33 = arith.constant 1 : i32
      %scan3A_34 = scf.for %scan3A_79 = %scan3A_30 to %scan3A_32 step %scan3A_33 iter_args(%scan3A_80 = %scan3A_29) -> (i32)  : i32 {
        %broadcast_in_dim3A_81 = arith.constant 0.000000e+00 : f32
        %broadcast_in_dim3A_82 = vector.broadcast %broadcast_in_dim3A_81 : f32 to vector<16xf32>
        %mul3A_83 = arith.constant 16 : i32
        %mul3A_84 = arith.muli %scan3A_79, %mul3A_83 : i32
        %swap3A_85 = arith.index_cast %mul3A_84 : i32 to index
        %swap3A_86 = tpu.vector_load %arg8[%swap3A_85] {strides = array<i32>} : memref<608xf32, #tpu.memory_space<vmem>>, vector<16xf32>,
        tpu.vector_store %arg8[%swap3A_85], %broadcast_in_dim3A_82 {strides = array<i32>} : memref<608xf32, #tpu.memory_space<vmem>>, vector<16xf32>,
        %scan3A_87 = arith.constant 0 : i32
        scf.yield %scan3A_87 : i32
      }
      %scan3A_35 = arith.constant 38 : i32
      %broadcast_in_dim3A_36 = arith.constant 1.000000e+00 : f32
      %broadcast_in_dim3A_37 = vector.broadcast %broadcast_in_dim3A_36 : f32 to vector<16xf32>
      %scan3A_38 = arith.constant 0 : i32
      %scan3A_39 = arith.constant 0 : i32
      %scan3A_40 = arith.constant 6 : i32
      %scan3A_41 = arith.addi %scan3A_39, %scan3A_40 : i32
      %scan3A_42 = arith.constant 1 : i32
      %scan3A_43 = scf.for %scan3A_79 = %scan3A_39 to %scan3A_41 step %scan3A_42 iter_args(%scan3A_80 = %scan3A_38) -> (i32)  : i32 {
        %mul3A_81 = arith.constant 16 : i32
        %mul3A_82 = arith.muli %scan3A_79, %mul3A_81 : i32
        %multiple_of3A_83 = tpu.assume_multiple %mul3A_82, 16 : i32
        %get3A = arith.index_cast %multiple_of3A_83 : i32 to index
        %get3A_84 = tpu.vector_load %arg6[%get3A] {strides = array<i32>} : memref<96xi32, #tpu.memory_space<vmem>>, vector<16xi32>,
        %add3A_85 = arith.constant 1 : i32
        %add3A_86 = vector.broadcast %add3A_85 : i32 to vector<16xi32>
        %add3A_87 = arith.addi %get3A_84, %add3A_86 : vector<16xi32>
        %lt3A = arith.constant 8 : i32
        %lt3A_88 = vector.broadcast %lt3A : i32 to vector<16xi32>
        %lt3A_89 = arith.cmpi slt, %iota3A, %lt3A_88 : vector<16xi32>
        tpu.vector_store_idx %arg8[%add3A_87], %broadcast_in_dim3A_37 masked %lt3A_89 {add = true} : memref<608xf32, #tpu.memory_space<vmem>>[vector<16xi32>], vector<16xf32>, vector<16xi1>
        %get3A_90 = arith.index_cast %multiple_of3A_83 : i32 to index
        %get3A_91 = tpu.vector_load %arg7[%get3A_90] {strides = array<i32>} : memref<96xi32, #tpu.memory_space<vmem>>, vector<16xi32>,
        %add3A_92 = arith.constant 1 : i32
        %add3A_93 = vector.broadcast %add3A_92 : i32 to vector<16xi32>
        %add3A_94 = arith.addi %get3A_91, %add3A_93 : vector<16xi32>
        %lt3A_95 = arith.constant 8 : i32
        %lt3A_96 = vector.broadcast %lt3A_95 : i32 to vector<16xi32>
        %lt3A_97 = arith.cmpi slt, %iota3A, %lt3A_96 : vector<16xi32>
        tpu.vector_store_idx %arg8[%add3A_94], %broadcast_in_dim3A_37 masked %lt3A_97 {add = true} : memref<608xf32, #tpu.memory_space<vmem>>[vector<16xi32>], vector<16xf32>, vector<16xi1>
        %scan3A_98 = arith.constant 0 : i32
        scf.yield %scan3A_98 : i32
      }
      %scan3A_44 = arith.constant 6 : i32
      %scan3A_45 = arith.constant 0 : i32
      %scan3A_46 = arith.constant 0 : i32
      %scan3A_47 = arith.constant 36 : i32
      %scan3A_48 = arith.addi %scan3A_46, %scan3A_47 : i32
      %scan3A_49 = arith.constant 1 : i32
      %scan3A_50 = scf.for %scan3A_79 = %scan3A_46 to %scan3A_48 step %scan3A_49 iter_args(%scan3A_80 = %scan3A_45) -> (i32)  : i32 {
        %mul3A_81 = arith.constant 16 : i32
        %mul3A_82 = arith.muli %scan3A_79, %mul3A_81 : i32
        %get3A = arith.index_cast %mul3A_82 : i32 to index
        %get3A_83 = tpu.vector_load %arg8[%get3A] {strides = array<i32>} : memref<608xf32, #tpu.memory_space<vmem>>, vector<16xf32>,
        %add3A_84 = arith.constant 1 : i32
        %add3A_85 = arith.addi %mul3A_82, %add3A_84 : i32
        %add3A_86 = vector.broadcast %add3A_85 : i32 to vector<16xi32>
        %add3A_87 = arith.addi %add3A_86, %iota3A : vector<16xi32>
        %gather3A = tpu.vector_load_idx %arg8[%add3A_87] : memref<608xf32, #tpu.memory_space<vmem>>[vector<16xi32>], vector<16xf32>,
        %add3A_88 = arith.constant 2 : i32
        %add3A_89 = arith.addi %mul3A_82, %add3A_88 : i32
        %add3A_90 = vector.broadcast %add3A_89 : i32 to vector<16xi32>
        %add3A_91 = arith.addi %add3A_90, %iota3A : vector<16xi32>
        %gather3A_92 = tpu.vector_load_idx %arg8[%add3A_91] : memref<608xf32, #tpu.memory_space<vmem>>[vector<16xi32>], vector<16xf32>,
        %mul3A_93 = arith.constant 2.000000e+00 : f32
        %mul3A_94 = vector.broadcast %mul3A_93 : f32 to vector<16xf32>
        %mul3A_95 = arith.mulf %mul3A_94, %gather3A : vector<16xf32>
        %add3A_96 = arith.addf %get3A_83, %mul3A_95 : vector<16xf32>
        %add3A_97 = arith.addf %add3A_96, %gather3A_92 : vector<16xf32>
        %swap3A_98 = arith.index_cast %mul3A_82 : i32 to index
        %swap3A_99 = tpu.vector_load %arg9[%swap3A_98] {strides = array<i32>} : memref<592xf32, #tpu.memory_space<vmem>>, vector<16xf32>,
        tpu.vector_store %arg9[%swap3A_98], %add3A_97 {strides = array<i32>} : memref<592xf32, #tpu.memory_space<vmem>>, vector<16xf32>,
        %convert_element_type3A_100 = arith.fptosi %add3A_97 : vector<16xf32> to vector<16xi32>
        %mul3A_101 = arith.constant 1024 : i32
        %mul3A_102 = vector.broadcast %mul3A_101 : i32 to vector<16xi32>
        %mul3A_103 = arith.muli %convert_element_type3A_100, %mul3A_102 : vector<16xi32>
        %add3A_104 = vector.broadcast %mul3A_82 : i32 to vector<16xi32>
        %add3A_105 = arith.addi %add3A_104, %iota3A : vector<16xi32>
        %sub3A = arith.constant 1023 : i32
        %sub3A_106 = vector.broadcast %sub3A : i32 to vector<16xi32>
        %sub3A_107 = arith.subi %sub3A_106, %add3A_105 : vector<16xi32>
        %add3A_108 = arith.addi %mul3A_103, %sub3A_107 : vector<16xi32>
        %swap3A_109 = arith.index_cast %mul3A_82 : i32 to index
        %swap3A_110 = tpu.vector_load %arg10[%swap3A_109] {strides = array<i32>} : memref<592xi32, #tpu.memory_space<vmem>>, vector<16xi32>,
        tpu.vector_store %arg10[%swap3A_109], %add3A_108 {strides = array<i32>} : memref<592xi32, #tpu.memory_space<vmem>>, vector<16xi32>,
        %scan3A_111 = arith.constant 0 : i32
        scf.yield %scan3A_111 : i32
      }
      %scan3A_51 = arith.constant 36 : i32
      %broadcast_in_dim3A_52 = arith.constant 0 : i32
      %broadcast_in_dim3A_53 = vector.broadcast %broadcast_in_dim3A_52 : i32 to vector<16xi32>
      %swap3A = arith.constant 576 : index
      %swap3A_54 = tpu.vector_load %arg10[%swap3A] {strides = array<i32>} : memref<592xi32, #tpu.memory_space<vmem>>, vector<16xi32>,
      tpu.vector_store %arg10[%swap3A], %broadcast_in_dim3A_53 {strides = array<i32>} : memref<592xi32, #tpu.memory_space<vmem>>, vector<16xi32>,
      %broadcast_in_dim3A_55 = arith.constant 0 : i32
      %broadcast_in_dim3A_56 = vector.broadcast %broadcast_in_dim3A_55 : i32 to vector<16xi32>
      %scan3A_57 = arith.constant 0 : i32
      %scan3A_58 = arith.constant 36 : i32
      %scan3A_59 = arith.addi %scan3A_57, %scan3A_58 : i32
      %scan3A_60 = arith.constant 1 : i32
      %scan3A_61 = scf.for %scan3A_79 = %scan3A_57 to %scan3A_59 step %scan3A_60 iter_args(%scan3A_80 = %broadcast_in_dim3A_56) -> (vector<16xi32>)  : i32 {
        %mul3A_81 = arith.constant 16 : i32
        %mul3A_82 = arith.muli %scan3A_79, %mul3A_81 : i32
        %get3A = arith.index_cast %mul3A_82 : i32 to index
        %get3A_83 = tpu.vector_load %arg10[%get3A] {strides = array<i32>} : memref<592xi32, #tpu.memory_space<vmem>>, vector<16xi32>,
        %max3A = arith.maxsi %scan3A_80, %get3A_83 : vector<16xi32>
        scf.yield %max3A : vector<16xi32>
      }
      %scan3A_62 = arith.constant 36 : i32
      %broadcast_in_dim3A_63 = arith.constant 0 : i32
      %broadcast_in_dim3A_64 = vector.broadcast %broadcast_in_dim3A_63 : i32 to vector<16xi32>
      %scan3A_65 = arith.constant 0 : i32
      %scan3A_66 = arith.constant 12 : i32
      %scan3A_67 = arith.addi %scan3A_65, %scan3A_66 : i32
      %scan3A_68 = arith.constant 1 : i32
      %scan3A_69:2 = scf.for %scan3A_79 = %scan3A_65 to %scan3A_67 step %scan3A_68 iter_args(%scan3A_80 = %scan3A_61, %scan3A_81 = %broadcast_in_dim3A_64) -> (vector<16xi32>, vector<16xi32>)  : i32 {
        %reduce_max3A = arith.constant true
        %reduce_max3A_82 = vector.broadcast %reduce_max3A : i1 to vector<16xi1>
        %reduce_max3A_83 = tpu.scan <max>, %scan3A_80 masked %reduce_max3A_82 : vector<16xi32>, vector<16xi1> -> vector<16xi32>
        %reduce_max3A_84 = vector.extract %reduce_max3A_83[15] : i32 from vector<16xi32>
        %add3A_85 = vector.broadcast %reduce_max3A_84 : i32 to vector<16xi32>
        %add3A_86 = arith.addi %add3A_85, %broadcast_in_dim3A_0 : vector<16xi32>
        %and3A_87 = arith.constant 1023 : i32
        %and3A_88 = vector.broadcast %and3A_87 : i32 to vector<16xi32>
        %and3A_89 = arith.andi %add3A_86, %and3A_88 : vector<16xi32>
        %sub3A = arith.constant 1023 : i32
        %sub3A_90 = vector.broadcast %sub3A : i32 to vector<16xi32>
        %sub3A_91 = arith.subi %sub3A_90, %and3A_89 : vector<16xi32>
        %eq3A_92 = vector.broadcast %scan3A_79 : i32 to vector<16xi32>
        %eq3A_93 = arith.cmpi eq, %iota3A, %eq3A_92 : vector<16xi32>
        %add3A_94 = arith.constant 1 : i32
        %add3A_95 = vector.broadcast %add3A_94 : i32 to vector<16xi32>
        %add3A_96 = arith.addi %sub3A_91, %add3A_95 : vector<16xi32>
        %select_n3A = arith.select %eq3A_93, %add3A_96, %scan3A_81 : vector<16xi1>, vector<16xi32>
        %broadcast_in_dim3A_97 = arith.constant 0 : i32
        %broadcast_in_dim3A_98 = vector.broadcast %broadcast_in_dim3A_97 : i32 to vector<16xi32>
        %eq3A_99 = arith.constant 0 : i32
        %eq3A_100 = vector.broadcast %eq3A_99 : i32 to vector<16xi32>
        %eq3A_101 = arith.cmpi eq, %iota3A, %eq3A_100 : vector<16xi32>
        tpu.vector_store_idx %arg10[%sub3A_91], %broadcast_in_dim3A_98 masked %eq3A_101 : memref<592xi32, #tpu.memory_space<vmem>>[vector<16xi32>], vector<16xi32>, vector<16xi1>
        %and3A_102 = arith.constant 15 : i32
        %and3A_103 = vector.broadcast %and3A_102 : i32 to vector<16xi32>
        %and3A_104 = arith.andi %sub3A_91, %and3A_103 : vector<16xi32>
        %mul3A_105 = arith.constant 16 : i32
        %mul3A_106 = vector.broadcast %mul3A_105 : i32 to vector<16xi32>
        %mul3A_107 = arith.muli %mul3A_106, %iota3A : vector<16xi32>
        %add3A_108 = arith.addi %and3A_104, %mul3A_107 : vector<16xi32>
        %add3A_109 = arith.constant 256 : i32
        %add3A_110 = vector.broadcast %add3A_109 : i32 to vector<16xi32>
        %add3A_111 = arith.addi %add3A_108, %add3A_110 : vector<16xi32>
        %add3A_112 = arith.constant 512 : i32
        %add3A_113 = vector.broadcast %add3A_112 : i32 to vector<16xi32>
        %add3A_114 = arith.addi %add3A_108, %add3A_113 : vector<16xi32>
        %min3A = arith.constant 591 : i32
        %min3A_115 = vector.broadcast %min3A : i32 to vector<16xi32>
        %min3A_116 = arith.minsi %add3A_114, %min3A_115 : vector<16xi32>
        %gather3A = tpu.vector_load_idx %arg10[%add3A_108] : memref<592xi32, #tpu.memory_space<vmem>>[vector<16xi32>], vector<16xi32>,
        %gather3A_117 = tpu.vector_load_idx %arg10[%add3A_111] : memref<592xi32, #tpu.memory_space<vmem>>[vector<16xi32>], vector<16xi32>,
        %gather3A_118 = tpu.vector_load_idx %arg10[%min3A_116] : memref<592xi32, #tpu.memory_space<vmem>>[vector<16xi32>], vector<16xi32>,
        %max3A = arith.maxsi %gather3A, %gather3A_117 : vector<16xi32>
        %max3A_119 = arith.maxsi %max3A, %gather3A_118 : vector<16xi32>
        %reduce_max3A_120 = arith.constant true
        %reduce_max3A_121 = vector.broadcast %reduce_max3A_120 : i1 to vector<16xi1>
        %reduce_max3A_122 = tpu.scan <max>, %max3A_119 masked %reduce_max3A_121 : vector<16xi32>, vector<16xi1> -> vector<16xi32>
        %reduce_max3A_123 = vector.extract %reduce_max3A_122[15] : i32 from vector<16xi32>
        %add3A_124 = vector.broadcast %reduce_max3A_123 : i32 to vector<16xi32>
        %add3A_125 = arith.addi %add3A_124, %broadcast_in_dim3A_0 : vector<16xi32>
        %eq3A_126 = arith.cmpi eq, %iota3A, %and3A_104 : vector<16xi32>
        %select_n3A_127 = arith.select %eq3A_126, %add3A_125, %scan3A_80 : vector<16xi1>, vector<16xi32>
        scf.yield %select_n3A_127, %select_n3A : vector<16xi32>, vector<16xi32>
      }
      %scan3A_70 = arith.constant 12 : i32
      %swap3A_71 = arith.constant 0 : index
      %swap3A_72 = tpu.vector_load %arg11[%swap3A_71] {strides = array<i32>} : memref<16xi32, #tpu.memory_space<vmem>>, vector<16xi32>,
      tpu.vector_store %arg11[%swap3A_71], %scan3A_69#1 {strides = array<i32>} : memref<16xi32, #tpu.memory_space<vmem>>, vector<16xi32>,
      %mul3A_73 = arith.constant 16 : i32
      %mul3A_74 = arith.muli %add3A, %mul3A_73 : i32
      %multiple_of3A_75 = tpu.assume_multiple %mul3A_74, 16 : i32
      "tpu.region"() ({
        %run_scoped3A = tpu.sem_alloc : memref<!tpu.dma_semaphore, #tpu.memory_space<semaphore_mem>>
        %dma_start3A = arith.constant 0 : i32
        %dma_start3A_79 = tpu.memref_slice %arg11[%dma_start3A] : memref<16xi32, #tpu.memory_space<vmem>> -> memref<16xi32, #tpu.memory_space<vmem>>
        %dma_start3A_80 = tpu.memref_slice %arg3[%multiple_of3A_75] : memref<256xi32, #tpu.memory_space<hbm>> -> memref<16xi32, #tpu.memory_space<hbm>>
        %dma_start3A_81 = tpu.memref_slice %arg3[%multiple_of3A_75] : memref<256xi32, #tpu.memory_space<hbm>> -> memref<16xi32, #tpu.memory_space<hbm>>
        %dma_start3A_82 = arith.constant 0 : i32
        %dma_start3A_83 = tpu.memref_slice %arg11[%dma_start3A_82] : memref<16xi32, #tpu.memory_space<vmem>> -> memref<16xi32, #tpu.memory_space<vmem>>
        tpu.enqueue_dma source(%dma_start3A_83 : memref<16xi32, #tpu.memory_space<vmem>>) target(%dma_start3A_81 : memref<16xi32, #tpu.memory_space<hbm>>) target_semaphore(%run_scoped3A : memref<!tpu.dma_semaphore, #tpu.memory_space<semaphore_mem>>)
        %dma_wait3A = arith.constant 0 : i32
        %dma_wait3A_84 = tpu.memref_slice %arg11[%dma_wait3A] : memref<16xi32, #tpu.memory_space<vmem>> -> memref<16xi32, #tpu.memory_space<vmem>>
        %dma_wait3A_85 = tpu.memref_slice %arg3[%multiple_of3A_75] : memref<256xi32, #tpu.memory_space<hbm>> -> memref<16xi32, #tpu.memory_space<hbm>>
        %dma_wait3A_86 = tpu.memref_slice %arg3[%multiple_of3A_75] : memref<256xi32, #tpu.memory_space<hbm>> -> memref<16xi32, #tpu.memory_space<hbm>>
        %dma_wait3A_87 = arith.constant 0 : i32
        %dma_wait3A_88 = tpu.memref_slice %arg11[%dma_wait3A_87] : memref<16xi32, #tpu.memory_space<vmem>> -> memref<16xi32, #tpu.memory_space<vmem>>
        tpu.wait_dma2 semaphore(%run_scoped3A : memref<!tpu.dma_semaphore, #tpu.memory_space<semaphore_mem>>) src(%dma_wait3A_88 : memref<16xi32, #tpu.memory_space<vmem>>) dst(%dma_wait3A_86 : memref<16xi32, #tpu.memory_space<hbm>>)
        tpu.yield
      }) : () -> ()
      %mul3A_76 = arith.constant 576 : i32
      %mul3A_77 = arith.muli %add3A, %mul3A_76 : i32
      %multiple_of3A_78 = tpu.assume_multiple %mul3A_77, 16 : i32
      "tpu.region"() ({
        %run_scoped3A = tpu.sem_alloc : memref<!tpu.dma_semaphore, #tpu.memory_space<semaphore_mem>>
        %dma_start3A = arith.constant 0 : i32
        %dma_start3A_79 = tpu.memref_slice %arg9[%dma_start3A] : memref<592xf32, #tpu.memory_space<vmem>> -> memref<576xf32, #tpu.memory_space<vmem>>
        %dma_start3A_80 = tpu.memref_slice %arg4[%multiple_of3A_78] : memref<9216xf32, #tpu.memory_space<hbm>> -> memref<576xf32, #tpu.memory_space<hbm>>
        %dma_start3A_81 = tpu.memref_slice %arg4[%multiple_of3A_78] : memref<9216xf32, #tpu.memory_space<hbm>> -> memref<576xf32, #tpu.memory_space<hbm>>
        %dma_start3A_82 = arith.constant 0 : i32
        %dma_start3A_83 = tpu.memref_slice %arg9[%dma_start3A_82] : memref<592xf32, #tpu.memory_space<vmem>> -> memref<576xf32, #tpu.memory_space<vmem>>
        tpu.enqueue_dma source(%dma_start3A_83 : memref<576xf32, #tpu.memory_space<vmem>>) target(%dma_start3A_81 : memref<576xf32, #tpu.memory_space<hbm>>) target_semaphore(%run_scoped3A : memref<!tpu.dma_semaphore, #tpu.memory_space<semaphore_mem>>)
        %dma_wait3A = arith.constant 0 : i32
        %dma_wait3A_84 = tpu.memref_slice %arg9[%dma_wait3A] : memref<592xf32, #tpu.memory_space<vmem>> -> memref<576xf32, #tpu.memory_space<vmem>>
        %dma_wait3A_85 = tpu.memref_slice %arg4[%multiple_of3A_78] : memref<9216xf32, #tpu.memory_space<hbm>> -> memref<576xf32, #tpu.memory_space<hbm>>
        %dma_wait3A_86 = tpu.memref_slice %arg4[%multiple_of3A_78] : memref<9216xf32, #tpu.memory_space<hbm>> -> memref<576xf32, #tpu.memory_space<hbm>>
        %dma_wait3A_87 = arith.constant 0 : i32
        %dma_wait3A_88 = tpu.memref_slice %arg9[%dma_wait3A_87] : memref<592xf32, #tpu.memory_space<vmem>> -> memref<576xf32, #tpu.memory_space<vmem>>
        tpu.wait_dma2 semaphore(%run_scoped3A : memref<!tpu.dma_semaphore, #tpu.memory_space<semaphore_mem>>) src(%dma_wait3A_88 : memref<576xf32, #tpu.memory_space<vmem>>) dst(%dma_wait3A_86 : memref<576xf32, #tpu.memory_space<hbm>>)
        tpu.yield
      }) : () -> ()
    } else {
    }
    return
  }
}

</mosaic_0001>

<sc_bundles>
// kernel: kernel.3.cloned.1.call-start
scs
__scs_entry_jumppad:
0x0: {  	(pc) =	sbr.rel $0x88, $3  }
0x1: {  	(tag) =	ssettag $0x0;
	lr =	simm.s32 $0x1  }
0x2: {  	[smem:$0x3F9F] =	sst lr;
	_ =	strace $0xD0000000  }
0x3: {  	_ = 	snop  }
0x4: {  	_ = 	snop  }
0x5: {  	_ = 	snop  }
0x6: {  	_ = 	snop  }
0x7: {  	_ = 	snop  }
__scs_overlays_trampoline_lowered:
0x8: {  	[smem:$0x3FAE] =	sst s0  }
0x9: {  	[smem:$0x3FAF] =	sst s1  }
0xa: {  	[smem:$0x3FB0] =	sst s2  }
0xb: {  	[smem:$0x3FB1] =	sst s3  }
0xc: {  	[smem:$0x3FB2] =	sst s4  }
0xd: {  	[smem:$0x3FB3] =	sst s5  }
0xe: {  	[smem:$0x3FB4] =	sst s6  }
0xf: {  	[smem:$0x3FB5] =	sst s7  }
0x10: {  	[smem:$0x3FB6] =	sst s8  }
0x11: {  	[smem:$0x3FB7] =	sst s9;
	s0 =	simm.s32 @!p0 $0x0  }
0x12: {  	s1 =	sld [smem:$0x3F9D];
	s0 =	simm.s32 @p0 $0x1  }
0x13: {  	[smem:$0x3FB8] =	sst s0;
	s0 =	simm.s32 @!p1 $0x0  }
0x14: {  	s2 =	sld [smem:$0x3F9C];
	s0 =	simm.s32 @p1 $0x1  }
0x15: {  	[smem:$0x3FB9] =	sst s0;
	s0 =	simm.s32 @!p2 $0x0  }
0x16: {  	s3 =	sld [smem:$0x3FDB];
	s0 =	simm.s32 @p2 $0x1  }
0x17: {  	s4 =	simm.s32 $0x1BF5;
	[smem:$0x3FBB] =	sst s0  }
0x18: {  	s0 =	sld [smem:$0x3F9E];
	_ =	swait.ge [sflag:s4], $0x0  }
0x19: {  	s7 =	sld [smem:$0x3F9F]  }
0x1a: {  	s8 =	sadd.s32 $0xFFFFE003, lr  }
0x1b: {  	s9 =	sadd.s32 $0xFFFFFEF7, lr;
	s5 =	simm.s32 $0xFFFFFFFF;
	p2 =	slt.u32 s8, $0xFFFFF086  }
0x1c: {  	p1 =	slt.u32 s9, $0xF7A;
	s5 =	simm.s32 @!p2 $0x0  }
0x1d: {  	s5 =	simm.s32 @p1 $0x1;
	p0 =	seq.s32 s7, s2  }
0x1e: {  	s7 =	smul.u32 @!p0 $0xF7A, s2;
	p2 =	seq.s32 @!p0 s5, $0x0  }
0x1f: {  	s9 =	smul.u32 $0xF7A, s1;
	s8 =	simm.s32 @!p0 $0x1BF5;
	p2 =	por !p2, p0  }
0x20: {  	[sflag:s8] =	ssyncset.s32 @!p0 $0xFFFFF086;
	s6 =	sadd.s32 @!p0 s3, s7;
	s7 =	simm.s32 @!p0 $0x108  }
0x21: {  	s3 =	sadd.s32 s3, s9;
	s6 =	sadd.s32 @!p0 $0x88, s6;
	s7 =	simm.s32 @p2 $0x1082  }
0x22: {  	[simem:s7], [sflag:s8] =	dma.local @!p0 [hbm:s6], $0xF7A  }
0x23: {  	s9 =	sor.u32 $0xD0000000, s2;
	s6 =	simm.s32 $0x108;
	_ =	swait.ge @!p0 [sflag:s8], $0x0  }
0x24: {  	s3 =	sadd.s32 $0x88, s3;
	s6 =	simm.s32 @!p1 $0x1082;
	[sflag:s4] =	ssyncset.s32 $0xFFFFF086  }
0x25: {  	[simem:s6], [sflag:s4] =	dma.local [hbm:s3], $0xF7A  }
0x26: {  	[smem:$0x3F9F] =	sst s1;
	(tag) =	ssettag s2;
	_ =	strace s9  }
0x27: {  	s1 =	sld [smem:$0x3FAF]  }
0x28: {  	s2 =	sld [smem:$0x3FB0]  }
0x29: {  	s4 =	sld [smem:$0x3FB2]  }
0x2a: {  	p0 =	seq.s32 s5, $0x0;
	s5 =	sld [smem:$0x3FB3]  }
0x2b: {  	s6 =	sld [smem:$0x3FB4]  }
0x2c: {  	s7 =	sld [smem:$0x3FB5]  }
0x2d: {  	s3 =	simm.s32 $0x108;
	s8 =	sld [smem:$0x3FB6]  }
0x2e: {  	s3 =	simm.s32 @!p0 $0x1082;
	s9 =	sld [smem:$0x3FB7]  }
0x2f: {  	lr =	sadd.s32 s0, s3;
	s0 =	sld [smem:$0x3FAE]  }
0x30: {  	s3 =	sld [smem:$0x3FB1]  }
0x31: {  	[smem:$0x3FBA] =	sst s10  }
0x32: {  	s10 =	sld [smem:$0x3FB8];
	_ =	sdelay $0x3  }
0x33: {  	p0 =	seq.s32 s10, $0x1;
	s10 =	sld [smem:$0x3FBA];
	_ =	sdelay $0x3  }
0x34: {  	[smem:$0x3FBA] =	sst s10  }
0x35: {  	s10 =	sld [smem:$0x3FB9];
	_ =	sdelay $0x3  }
0x36: {  	p1 =	seq.s32 s10, $0x1;
	s10 =	sld [smem:$0x3FBA];
	_ =	sdelay $0x3  }
0x37: {  	[smem:$0x3FBA] =	sst s10  }
0x38: {  	s10 =	sld [smem:$0x3FBB]  }
0x39: {  	_ = 	snop;
	(pc) =	sbr.ind lr, $3  }
0x3a: {  	_ = 	snop  }
0x3b: {  	_ = 	snop  }
0x3c: {  	p2 =	seq.s32 s10, $0x1;
	s10 =	sld [smem:$0x3FBA]  }
0x3d: {  	_ =	shalt  }
0x3e: {  	_ =	shalt  }
0x3f: {  	_ =	shalt  }
0x40: {  	_ =	shalt  }
0x41: {  	_ =	shalt  }
0x42: {  	_ =	shalt  }
0x43: {  	_ =	shalt  }
0x44: {  	_ =	shalt  }
0x45: {  	_ =	shalt  }
0x46: {  	_ =	shalt  }
0x47: {  	_ =	shalt  }
0x48: {  	_ =	shalt  }
0x49: {  	_ =	shalt  }
0x4a: {  	_ =	shalt  }
0x4b: {  	_ =	shalt  }
0x4c: {  	_ =	shalt  }
0x4d: {  	_ =	shalt  }
0x4e: {  	_ =	shalt  }
0x4f: {  	_ =	shalt  }
0x50: {  	_ =	shalt  }
0x51: {  	_ =	shalt  }
0x52: {  	_ =	shalt  }
0x53: {  	_ =	shalt  }
0x54: {  	_ =	shalt  }
0x55: {  	_ =	shalt  }
0x56: {  	_ =	shalt  }
0x57: {  	_ =	shalt  }
0x58: {  	_ =	shalt  }
0x59: {  	_ =	shalt  }
0x5a: {  	_ =	shalt  }
0x5b: {  	_ =	shalt  }
0x5c: {  	_ =	shalt  }
0x5d: {  	_ =	shalt  }
0x5e: {  	_ =	shalt  }
0x5f: {  	_ =	shalt  }
0x60: {  	_ =	shalt  }
0x61: {  	_ =	shalt  }
0x62: {  	_ =	shalt  }
0x63: {  	_ =	shalt  }
0x64: {  	_ =	shalt  }
0x65: {  	_ =	shalt  }
0x66: {  	_ =	shalt  }
0x67: {  	_ =	shalt  }
0x68: {  	_ =	shalt  }
0x69: {  	_ =	shalt  }
0x6a: {  	_ =	shalt  }
0x6b: {  	_ =	shalt  }
0x6c: {  	_ =	shalt  }
0x6d: {  	_ =	shalt  }
0x6e: {  	_ =	shalt  }
0x6f: {  	_ =	shalt  }
0x70: {  	_ =	shalt  }
0x71: {  	_ =	shalt  }
0x72: {  	_ =	shalt  }
0x73: {  	_ =	shalt  }
0x74: {  	_ =	shalt  }
0x75: {  	_ =	shalt  }
0x76: {  	_ =	shalt  }
0x77: {  	_ =	shalt  }
0x78: {  	_ =	shalt  }
0x79: {  	_ =	shalt  }
0x7a: {  	_ =	shalt  }
0x7b: {  	_ =	shalt  }
0x7c: {  	_ =	shalt  }
0x7d: {  	_ =	shalt  }
0x7e: {  	_ =	shalt  }
0x7f: {  	_ =	shalt  }
0x80: {  	_ =	shalt  }
0x81: {  	_ =	shalt  }
0x82: {  	_ =	shalt  }
0x83: {  	_ =	shalt  }
0x84: {  	_ =	shalt  }
0x85: {  	_ =	shalt  }
0x86: {  	_ =	shalt  }
0x87: {  	_ =	shalt  }
.Lfunc_end0:
.L_simem_size_0:
called_computation_lowered:
.L_overlay_start_0:
0x88: {  	s2 =	sld [smem:$0x3FD9]  }
0x89: {  	s3 =	sld [smem:$0x3FFE];
	_ =	sdelay $0x1  }
0x8a: {  	s1 =	srdreg.scid  }
0x8b: {  	s0 =	sand.u32 $0x1, s1  }
0x8c: {  	s14 =	sshll.u32 s0, $0xA;
	s2 =	sadd.s32 s3, s2  }
0x8d: {  	s2 =	sadd.s32 s2, s14  }
0x8e: {  	[smem:$0x3FC6] =	sst s2  }
0x8f: {  	_ = 	snop  }
0x90: {  	s2 =	sld [smem:$0x3FD0];
	_ =	sdelay $0x2  }
0x91: {  	s15 =	simm.s32 $0xA;
	s4 =	simm.s32 $0x10  }
0x92: {  	[smem:s4], [sflag:s15] =	dma.local [hbm:s2], $0x1  }
0x93: {  	_ =	swait.eq [sflag:s15], $0x1  }
0x94: {  	[sflag:s15] =	ssyncset.done $0x0  }
0x95: {  	[sflag:s15] =	ssyncadd.s32 $0xFFFFFFFF  }
0x96: {  	s16 =	sld [smem:$0x10];
	(tm) =	ssettm $0x1  }
0x97: {  	s17 =	sld [smem:$0x3FFB];
	_ =	sdelay $0x3  }
0x98: {  	_ =	strace s17  }
0x99: {  	s3 =	sld [smem:$0x3FFC];
	_ =	sdelay $0x3  }
0x9a: {  	_ =	strace s3  }
0x9b: {  	s3 =	sld [smem:$0x3FFD];
	_ =	sdelay $0x3  }
0x9c: {  	_ =	strace s3  }
0x9d: {  	_ =	strace $0x8FFFFFFF  }
0x9e: {  	s18 =	sld [smem:$0x3FDB];
	_ =	sdelay $0x1  }
0x9f: {  	s19 =	simm.s32 $_scs_section_size  }
0xa0: {  	s5 =	simm.s32 $_size__tile_overlayer_lowered;
	s6 =	simm.s32 $_tile_overlayer_lowered  }
0xa1: {  	s22 =	simm.s32 $0x1BFF;
	s21 =	sshll.u32 s6, $0x1;
	s3 =	sadd.s32 s19, s18  }
0xa2: {  	s7 =	simm.s32 $0x0;
	s20 =	sshll.u32 s5, $0x1;
	s5 =	sadd.s32 s21, s3  }
0xa3: {  	[timem:s7], [sflag:s22] =	dma.local [hbm:s5], s20  }
0xa4: {  	_ =	swait.ge [sflag:s22], s20  }
0xa5: {  	s4 =	ssub.s32 $0x0, s20;
	[sflag:s22] =	ssyncset.done $0x0  }
0xa6: {  	[sflag:s22] =	ssyncadd.s32 s4;
	_ =	sdelay $0x1  }
0xa7: {  	s23 =	simm.s32 $0x1B8B  }
0xa8: {  	_ =	swait.ge [sflag:s23], $0x1  }
0xa9: {  	[sflag:s23] =	ssyncset.done $0x0  }
0xaa: {  	s25 =	simm.s32 $0x1B8E;
	s24 =	sld [smem:$0x3FFE];
	[sflag:s23] =	ssyncadd.s32 $0xFFFFFFFF  }
0xab: {  	s26 =	simm.s32 $execute0_lowered;
	[smem:$0x3FD2] =	sst s25  }
0xac: {  	s5 =	sshll.u32 s26, $0x1;
	_ =	strace $0x80000046;
	[dreg:$0x1] =	wrdreg $0xFFFFFFFF  }
0xad: {  	s28 =	simm.s32 $_size_execute0_lowered;
	s3 =	sadd.s32 s3, s5;
	[dreg:$0x0] =	wrdreg $0x0  }
0xae: {  	s5 =	sshll.u32 s28, $0x1;
	[dreg:$0x2] =	wrdreg s3  }
0xaf: {  	[dreg:$0x3] =	wrdreg s5  }
0xb0: {  	[dreg:$0x4] =	wrdreg $0xC0  }
0xb1: {  	_ =	task [dreg:s7], $0x5FFFF  }
0xb2: {  	[dreg:$0x1] =	wrdreg $0xFFFFFFFF  }
0xb3: {  	[dreg:$0x0] =	wrdreg $0x60  }
0xb4: {  	[dreg:$0x2] =	wrdreg s24  }
0xb5: {  	[dreg:$0x3] =	wrdreg s16  }
0xb6: {  	[dreg:$0x4] =	wrdreg $0x16800  }
0xb7: {  	[dreg:$0x5] =	wrdreg $0x9  }
0xb8: {  	_ =	task.clear_ibuf [dreg:s7], $0x6FFFF;
	_ =	strace $0x90000046  }
0xb9: {  	s29 =	simm.s32 $0x9;
	_ =	strace $0x80000048  }
0xba: {  	_ =	swait.ge [sflag:s29], $0x1  }
0xbb: {  	[sflag:s29] =	ssyncadd.s32 $0xFFFFFFFF  }
0xbc: {  	_ =	strace $0x90000048  }
0xbd: {  	_ =	sfence  }
0xbe: {  	s30 =	sld [smem:$0x0];
	_ =	sdelay $0x2  }
0xbf: {  	s31 =	sshll.u32 s1, $0xD;
	s1 =	sshrl.u32 s1, $0x2  }
0xc0: {  	s3 =	sand.u32 $0x4000, s31;
	s1 =	sadd.s32 s1, s30  }
0xc1: {  	s0 =	sor.u32 s3, s0;
	s1 =	sshll.u32 s1, $0x11  }
0xc2: {  	s0 =	sor.u32 s1, s0  }
0xc3: {  	s0 =	sadd.s32 $0x8F2B, s0  }
0xc4: {  	[sflag:s0] =	ssyncadd.remote.s32 $0x1  }
0xc5: {  	_ =	sfence.sel $0xFFFF  }
0xc6: {  	[dreg:$0x0] =	wrdreg $0xFFFFFFFF;
	(pc) =	sbr.abs _section_cstart, $3  }
0xc7: {  	[dreg:$0x1] =	wrdreg $0xFFFFFFFF  }
0xc8: {  	_ =	task.clear_ibuf [dreg:s7], $0x2FFFF;
	_ =	strace $0x9FFFFFFF  }
0xc9: {  	(tm) =	ssettm $0x7FFFFFFF  }
tec
execute0_lowered:
.L_overlay_start_1:
0x0: {  	(tag) =	ssettag $0x1  }
0x1: {  	s4 =	rddreg [dreg:$0x0]  }
0x2: {  	s1 =	srdreg.scid;
	s6 =	rddreg [dreg:$0x1]  }
0x3: {  	s0 =	stileid.u32;
	s8 =	rddreg [dreg:$0x2]  }
0x4: {  	s13 =	simm.s32 $0x1380;
	s14 =	simm.s32 $0x1600;
	s15 =	simm.s32 $0x1100  }
0x5: {  	s16 =	simm.s32 $0x0;
	s3 =	sand.u32 $0x1, s1;
	s2 =	sshrl.u32 s0, $0x1  }
0x6: {  	s10 =	sand.u32 $0x1, s0;
	s11 =	smul.u32 $0x180, s0;
	s1 =	sshll.u32 s3, $0x3  }
0x7: {  	s12 =	ssub.s32 $0x2, s3;
	p0 =	sne.s32 s10, $0x0;
	s5 =	sor.u32 s2, s1  }
0x8: {  	s1 =	rddreg [dreg:$0x3];
	s2 =	simm.s32 $0x0;
	s28 =	sshrl.u32 s11, $0x2  }
0x9: {  	v0 =	vlaneseq.u32;
	s30 =	sshrl.u32 s12, $0x1;
	s11 =	simm.s32 $0xE00;
	s7 =	sshll.u32 s5, $0x1  }
0xa: {  	vm0 =	vmmov $0x1;
	v2 =	vimm.f32 $-2.000000000e+00;
	vm2 =	vcmask $0x320;
	[smem:$0x7FF] =	sst s2;
	s5 =	smul.u32 $0x48, s5;
	s3 =	sadd.s32 s28, s8  }
.Ltmp0:
0xb: {  	vm3 =	vcmask $0x720;
	vm4 =	vcmask $0xB20;
	vm5 =	vcmask $0xF20;
	s31 =	ssub.s32 s12, s30;
	s9 =	sor.u32 s10, s7;
	(pc) =	sbr.rel .LBB2_1-.Ltmp0, $4  }
0xc: {  	vm1 =	vmmov $0xf;
	vm6 =	vcmask $0x1320;
	vm7 =	vcmask $0x1720;
	s12 =	simm.s32 $0xE80;
	_ =	strace $0x80000047;
	s9 =	smul.u32 $0x1B0, s9  }
0xd: {  	vm8 =	vcmask $0x1B20;
	v6 =	vimm.f32 $0.0e+00;
	v1 =	vmul.u32 $0x10, v0;
	s6 =	sadd.s32 s6, s7;
	s8 =	smax.u32 s31, $0x1;
	s10 =	simm.s32 $0xD80  }
0xe: {  	v7 =	vimm.f32 $1.000000000e+00;
	v8 =	vimm.s32 $0x0;
	v5 =	vand.u32 $0x7, v0;
	s29 =	sadd.s32 s5, s4;
	s5 =	sadd.s32 $0x60, s3;
	s9 =	sadd.s32 s9, s4  }
0xf: {  	v5 =	vmul.u32 $0x10, v5;
	v3 =	vor.u32 $0x100, v1;
	v4 =	vor.u32 $0x200, v1;
	s7 =	sadd.s32 $0x3E00, s29;
	s4 =	sadd.s32 $0x800, s9;
	s9 =	simm.s32 $0x1  }
.LBB2_13:
0x10: {  	s16 =	sadd.s32 $0x1, s16  }
0x11: {  	p1 =	sne.s32 s16, s8  }
.Ltmp1:
0x12: {  	_ = 	snop;
	(pc) =	sbr.rel @!p1 .LBB2_14-.Ltmp1, $1  }
0x13: {  	_ =	sdelay $0x3  }
.LBB2_1:
0x14: {  	[tilespmem:s2], [sflag:$0x1] =	stream.linear.gather [hbm4b:s4+s2], $0xD80, $0x38;
	[tilespmem:$0x16E0] =	vst v63  }
0x15: {  	_ =	swait.ge [sflag:s9], $0xD80  }
0x16: {  	s17 =	simm.s32 $0x240;
	[sflag:s9] =	ssyncset.done $0x0  }
0x17: {  	s18 =	simm.s32 $0x0;
	s19 =	simm.s32 $0x0;
	[sflag:s9] =	ssyncadd.s32 $0xFFFFF280  }
.LBB2_2:
0x18: {  	s22 =	simm.s32 $0x0;
	s21 =	sadd.s32 $0x0, s18  }
0x19: {  	s21 =	sand.u32 $0x1F80, s21;
	s23 =	sand.u32 $0x70, s22  }
0x1a: {  	s20 =	smul.u32 $0x480, s19;
	v10 =	vld [tilespmem:s17+$0x0];
	s24 =	sor.u32 s23, s21  }
0x1b: {  	v12 =	vimm.f32 $-3.000000000e+00;
	v13 =	vld [tilespmem:s24+$0x0]  }
0x1c: {  	v9 =	vimm.s32 $0x0;
	v15 =	vimm.f32 $-3.000000000e+00;
	v11 =	vimm.s32 $0x0;
	s21 =	sadd.s32 $0x240, s20;
	s23 =	simm.s32 $0x10;
	s24 =	smov.u32 s17  }
.LBB2_3:
0x1d: {  	s25 =	sadd.s32 s23, s18;
	p1 =	sne.s32 s23, $0x230  }
.Ltmp2:
0x1e: {  	s26 =	smov.u32 s23;
	s23 =	sadd.s32 $0x10, s23;
	(pc) =	sbr.rel @p1 .LBB2_3-.Ltmp2, $4  }
0x1f: {  	s24 =	sadd.s32 $0x10, s24;
	s25 =	sand.u32 $0x1F80, s25;
	s28 =	sand.u32 $0x70, s26  }
0x20: {  	v14 =	vor.u32 s22, v0;
	s22 =	smov.u32 s26;
	s25 =	sor.u32 s28, s25;
	vm10 =	vgt.f32 v10, v15;
	v16 =	vmovc v10;
	v10 =	vld [tilespmem:s24+$0x0];
	vm9 =	vgt.f32 v13, v12  }
0x21: {  	v15 =	vsel vm10, v16, v15;
	v12 =	vsel vm9, v13, v12;
	v13 =	vld [tilespmem:s25+$0x0];
	v9 =	vsel vm9, v14, v9  }
0x22: {  	v11 =	vsel vm10, v14, v11  }
0x23: {  	_ =	sdelay $0x2  }
0x24: {  	vm9 =	vgt.f32 v13, v12  }
0x25: {  	v16 =	vsel vm9, v13, v12  }
0x26: {  	(xrf0) =	vmax.scan.msk.f32 $0xffff, v16;
	_ =	sdelay $0x5  }
0x27: {  	v31, _, _ =	vpop (xrf0)  }
0x28: {  	v12 =	vbroadcast v31, $0xF  }
0x29: {  	v17 =	vor.u32 s22, v0  }
0x2a: {  	v18 =	vsel vm9, v17, v9;
	vm9 =	veq.f32 v16, v12  }
0x2b: {  	v9 =	vnsel vm9, $0x100000, v18  }
0x2c: {  	(xrf0) =	vmin.scan.msk.u32 $0xffff, v9;
	_ =	sdelay $0x5  }
0x2d: {  	v9, _, _ =	vpop (xrf0)  }
0x2e: {  	v9 =	vbroadcast v9, $0xF  }
0x2f: {  	v14 =	vmov s20;
	v33 =	vadd.s32 s20, v1;
	v34 =	vadd.s32 s20, v3  }
0x30: {  	v14 =	vadd.s32 $0x200, v14;
	v12 =	vand.u32 $0x1F80, v33;
	v19 =	vand.u32 $0xF, v9  }
0x31: {  	v20 =	vadd.s32 s20, v9;
	v32 =	vor.u32 v4, v19;
	v22 =	vor.u32 v5, v19  }
0x32: {  	v13 =	vand.u32 $0x1F80, v34;
	v21 =	vmin.u32 v32, $0x23F;
	v23 =	vor.u32 v22, v12  }
0x33: {  	v14 =	vand.u32 $0x1F80, v14;
	v22 =	vor.u32 v22, v13;
	v24 =	vand.u32 $0x3F, v21  }
0x34: {  	v24 =	vor.u32 v24, v14;
	_ =	sdelay $0x1  }
0x35: {  	[tilespmem:v20+s2+$0x0] =	vst.idx.msk $0x1, v2  }
0x36: {  	v20 =	vld.idx.msk [tilespmem:v23+s2+$0x0], $0xffff  }
0x37: {  	v22 =	vld.idx.msk [tilespmem:v22+s2+$0x0], $0xffff  }
0x38: {  	v35 =	vld.idx.msk [tilespmem:v24+s2+$0x0], $0xffff;
	_ =	sdelay $0x4  }
0x39: {  	v36 =	vmax.f32 v20, v22;
	v23 =	vnsel vm1, $0xC0000000, v35  }
0x3a: {  	v24 =	vmax.f32 v36, v23  }
0x3b: {  	(xrf0) =	vmax.scan.msk.f32 $0xffff, v24;
	_ =	sdelay $0x5  }
0x3c: {  	v24, _, _ =	vpop (xrf0)  }
0x3d: {  	v24 =	vbroadcast v24, $0xF  }
0x3e: {  	v25 =	vor.u32 v1, v19  }
0x3f: {  	v26 =	vor.u32 v3, v19;
	vm9 =	veq.f32 v20, v24;
	vm10 =	veq.f32 v22, v24  }
0x40: {  	v20 =	vnsel vm9, $0x100000, v25;
	v22 =	vnsel vm10, $0x100000, v26;
	vm9 =	veq.f32 v23, v24  }
0x41: {  	v21 =	vnsel vm9, $0x100000, v21;
	v20 =	vmin.u32 v20, v22  }
0x42: {  	vm9 =	vgt.f32 v10, v15;
	v20 =	vmin.u32 v20, v21  }
0x43: {  	v15 =	vsel vm9, v10, v15;
	(xrf0) =	vmin.scan.msk.u32 $0xffff, v20  }
0x44: {  	(xrf0) =	vmax.scan.msk.f32 $0xffff, v15;
	_ =	sdelay $0x4  }
0x45: {  	v20, _, _ =	vpop (xrf0)  }
0x46: {  	v10, _, _ =	vpop (xrf0)  }
0x47: {  	v10 =	vbroadcast v10, $0xF;
	_ =	sdelay $0x1  }
0x48: {  	v17 =	vsel vm9, v17, v11;
	vm9 =	veq.f32 v15, v10  }
0x49: {  	v10 =	vnsel vm9, $0x100000, v17  }
0x4a: {  	(xrf0) =	vmin.scan.msk.u32 $0xffff, v10;
	_ =	sdelay $0x5  }
0x4b: {  	v10, _, _ =	vpop (xrf0)  }
0x4c: {  	v10 =	vbroadcast v10, $0xF;
	_ =	sdelay $0x1  }
0x4d: {  	v37 =	vand.u32 $0xF, v10  }
0x4e: {  	v11 =	vadd.s32 s21, v10;
	v38 =	vor.u32 v1, v37  }
0x4f: {  	v39 =	vor.u32 v3, v37;
	v40 =	vor.u32 v4, v37;
	v41 =	vadd.s32 s21, v38  }
0x50: {  	v25 =	vmin.u32 v40, $0x23F;
	v27 =	vadd.s32 s21, v39  }
0x51: {  	v28 =	vadd.s32 s21, v25;
	_ =	sdelay $0x1  }
0x52: {  	[tilespmem:v11+s2+$0x0] =	vst.idx.msk $0x1, v2  }
0x53: {  	v11 =	vld.idx.msk [tilespmem:v41+s2+$0x0], $0xffff  }
0x54: {  	v42 =	vld.idx.msk [tilespmem:v27+s2+$0x0], $0xffff  }
0x55: {  	v43 =	vld.idx.msk [tilespmem:v28+s2+$0x0], $0xffff;
	_ =	sdelay $0x4  }
0x56: {  	v44 =	vmax.f32 v11, v42;
	v27 =	vnsel vm1, $0xC0000000, v43  }
0x57: {  	v28 =	vmax.f32 v44, v27  }
0x58: {  	(xrf0) =	vmax.scan.msk.f32 $0xffff, v28;
	_ =	sdelay $0x5  }
0x59: {  	v28, _, _ =	vpop (xrf0)  }
0x5a: {  	v28 =	vbroadcast v28, $0xF;
	_ =	sdelay $0x1  }
0x5b: {  	vm9 =	veq.f32 v11, v28;
	vm10 =	veq.f32 v42, v28  }
0x5c: {  	v11 =	vnsel vm9, $0x100000, v38;
	v45 =	vnsel vm10, $0x100000, v39;
	vm9 =	veq.f32 v27, v28  }
0x5d: {  	v46 =	vnsel vm9, $0x100000, v25;
	v11 =	vmin.u32 v11, v45  }
0x5e: {  	vm9 =	veq.s32 v19, v0;
	v11 =	vmin.u32 v11, v46  }
0x5f: {  	v16 =	vsel vm9, v24, v16;
	(xrf0) =	vmin.scan.msk.u32 $0xffff, v11  }
0x60: {  	(xrf0) =	vmax.scan.msk.f32 $0xffff, v16;
	_ =	sdelay $0x4  }
0x61: {  	v47, _, _ =	vpop (xrf0)  }
0x62: {  	v11, _, _ =	vpop (xrf0)  }
0x63: {  	v20 =	vbroadcast v20, $0xF;
	v11 =	vbroadcast v11, $0xF;
	_ =	sdelay $0x1  }
0x64: {  	v18 =	vsel vm9, v20, v18;
	vm9 =	veq.f32 v16, v11  }
0x65: {  	v11 =	vnsel vm9, $0x100000, v18  }
0x66: {  	(xrf0) =	vmin.scan.msk.u32 $0xffff, v11;
	_ =	sdelay $0x5  }
0x67: {  	v11, _, _ =	vpop (xrf0)  }
0x68: {  	v11 =	vbroadcast v11, $0xF;
	_ =	sdelay $0x1  }
0x69: {  	v48 =	vand.u32 $0xF, v11  }
0x6a: {  	v49 =	vadd.s32 s20, v11;
	v50 =	vor.u32 v4, v48;
	v51 =	vor.u32 v5, v48  }
0x6b: {  	v23 =	vmin.u32 v50, $0x23F;
	v52 =	vor.u32 v51, v12  }
0x6c: {  	v24 =	vor.u32 v51, v13;
	v53 =	vand.u32 $0x3F, v23  }
0x6d: {  	v26 =	vor.u32 v53, v14;
	_ =	sdelay $0x1  }
0x6e: {  	[tilespmem:v49+s2+$0x0] =	vst.idx.msk $0x1, v2  }
0x6f: {  	v22 =	vld.idx.msk [tilespmem:v52+s2+$0x0], $0xffff  }
0x70: {  	v24 =	vld.idx.msk [tilespmem:v24+s2+$0x0], $0xffff  }
0x71: {  	v54 =	vld.idx.msk [tilespmem:v26+s2+$0x0], $0xffff;
	_ =	sdelay $0x4  }
0x72: {  	v55 =	vmax.f32 v22, v24;
	v25 =	vnsel vm1, $0xC0000000, v54  }
0x73: {  	v26 =	vmax.f32 v55, v25  }
0x74: {  	(xrf0) =	vmax.scan.msk.f32 $0xffff, v26;
	_ =	sdelay $0x5  }
0x75: {  	v26, _, _ =	vpop (xrf0)  }
0x76: {  	v26 =	vbroadcast v26, $0xF  }
0x77: {  	v56 =	vor.u32 v1, v48  }
0x78: {  	v29 =	vor.u32 v3, v48;
	vm9 =	veq.f32 v22, v26;
	vm10 =	veq.f32 v24, v26  }
0x79: {  	v22 =	vnsel vm9, $0x100000, v56;
	v24 =	vnsel vm10, $0x100000, v29;
	vm9 =	veq.f32 v25, v26  }
0x7a: {  	v23 =	vnsel vm9, $0x100000, v23;
	v22 =	vmin.u32 v22, v24  }
0x7b: {  	vm9 =	veq.s32 v37, v0;
	v57 =	vmin.u32 v22, v23  }
0x7c: {  	v58 =	vsel vm9, v28, v15;
	(xrf0) =	vmin.scan.msk.u32 $0xffff, v57  }
0x7d: {  	(xrf0) =	vmax.scan.msk.f32 $0xffff, v58;
	_ =	sdelay $0x4  }
0x7e: {  	v21, _, _ =	vpop (xrf0)  }
0x7f: {  	v59, _, _ =	vpop (xrf0)  }
0x80: {  	v19 =	vbroadcast v47, $0xF;
	v15 =	vbroadcast v59, $0xF;
	_ =	sdelay $0x1  }
0x81: {  	v17 =	vsel vm9, v19, v17;
	vm9 =	veq.f32 v58, v15  }
0x82: {  	v15 =	vnsel vm9, $0x100000, v17  }
0x83: {  	(xrf0) =	vmin.scan.msk.u32 $0xffff, v15;
	_ =	sdelay $0x5  }
0x84: {  	v15, _, _ =	vpop (xrf0)  }
0x85: {  	v15 =	vbroadcast v15, $0xF;
	_ =	sdelay $0x1  }
0x86: {  	v60 =	vand.u32 $0xF, v15  }
0x87: {  	v61 =	vadd.s32 s21, v15;
	v62 =	vor.u32 v1, v60  }
0x88: {  	v63 =	vor.u32 v3, v60;
	v32 =	vor.u32 v4, v60;
	v33 =	vadd.s32 s21, v62  }
0x89: {  	v27 =	vmin.u32 v32, $0x23F;
	v34 =	vadd.s32 s21, v63  }
0x8a: {  	v30 =	vadd.s32 s21, v27;
	_ =	sdelay $0x1  }
0x8b: {  	[tilespmem:v61+s2+$0x0] =	vst.idx.msk $0x1, v2  }
0x8c: {  	v23 =	vld.idx.msk [tilespmem:v33+s2+$0x0], $0xffff  }
0x8d: {  	v35 =	vld.idx.msk [tilespmem:v34+s2+$0x0], $0xffff  }
0x8e: {  	v36 =	vld.idx.msk [tilespmem:v30+s2+$0x0], $0xffff;
	_ =	sdelay $0x4  }
0x8f: {  	v37 =	vmax.f32 v23, v35;
	v29 =	vnsel vm1, $0xC0000000, v36  }
0x90: {  	v30 =	vmax.f32 v37, v29  }
0x91: {  	(xrf0) =	vmax.scan.msk.f32 $0xffff, v30;
	_ =	sdelay $0x5  }
0x92: {  	v30, _, _ =	vpop (xrf0)  }
0x93: {  	v30 =	vbroadcast v30, $0xF;
	_ =	sdelay $0x1  }
0x94: {  	vm9 =	veq.f32 v23, v30;
	vm10 =	veq.f32 v35, v30  }
0x95: {  	v23 =	vnsel vm9, $0x100000, v62;
	v38 =	vnsel vm10, $0x100000, v63;
	vm9 =	veq.f32 v29, v30  }
0x96: {  	v39 =	vnsel vm9, $0x100000, v27;
	v23 =	vmin.u32 v23, v38  }
0x97: {  	vm9 =	veq.s32 v48, v0;
	v40 =	vmin.u32 v23, v39  }
0x98: {  	v41 =	vsel vm9, v26, v16;
	(xrf0) =	vmin.scan.msk.u32 $0xffff, v40  }
0x99: {  	(xrf0) =	vmax.scan.msk.f32 $0xffff, v41;
	_ =	sdelay $0x4  }
0x9a: {  	v20, _, _ =	vpop (xrf0)  }
0x9b: {  	v42, _, _ =	vpop (xrf0)  }
0x9c: {  	v21 =	vbroadcast v21, $0xF;
	v16 =	vbroadcast v42, $0xF;
	_ =	sdelay $0x1  }
0x9d: {  	v18 =	vsel vm9, v21, v18;
	vm9 =	veq.f32 v41, v16  }
0x9e: {  	v16 =	vnsel vm9, $0x100000, v18  }
0x9f: {  	(xrf0) =	vmin.scan.msk.u32 $0xffff, v16;
	_ =	sdelay $0x5  }
0xa0: {  	v16, _, _ =	vpop (xrf0)  }
0xa1: {  	v16 =	vbroadcast v16, $0xF;
	_ =	sdelay $0x1  }
0xa2: {  	v43 =	vand.u32 $0xF, v16  }
0xa3: {  	v44 =	vadd.s32 s20, v16;
	v45 =	vor.u32 v4, v43;
	v46 =	vor.u32 v5, v43  }
0xa4: {  	v25 =	vmin.u32 v45, $0x23F;
	v47 =	vor.u32 v46, v12  }
0xa5: {  	v26 =	vor.u32 v46, v13;
	v48 =	vand.u32 $0x3F, v25  }
0xa6: {  	v28 =	vor.u32 v48, v14;
	_ =	sdelay $0x1  }
0xa7: {  	[tilespmem:v44+s2+$0x0] =	vst.idx.msk $0x1, v2  }
0xa8: {  	v24 =	vld.idx.msk [tilespmem:v47+s2+$0x0], $0xffff  }
0xa9: {  	v26 =	vld.idx.msk [tilespmem:v26+s2+$0x0], $0xffff  }
0xaa: {  	v49 =	vld.idx.msk [tilespmem:v28+s2+$0x0], $0xffff;
	_ =	sdelay $0x4  }
0xab: {  	v50 =	vmax.f32 v24, v26;
	v27 =	vnsel vm1, $0xC0000000, v49  }
0xac: {  	v28 =	vmax.f32 v50, v27  }
0xad: {  	(xrf0) =	vmax.scan.msk.f32 $0xffff, v28;
	_ =	sdelay $0x5  }
0xae: {  	v28, _, _ =	vpop (xrf0)  }
0xaf: {  	v28 =	vbroadcast v28, $0xF  }
0xb0: {  	v51 =	vor.u32 v1, v43  }
0xb1: {  	v31 =	vor.u32 v3, v43;
	vm9 =	veq.f32 v24, v28;
	vm10 =	veq.f32 v26, v28  }
0xb2: {  	v24 =	vnsel vm9, $0x100000, v51;
	v26 =	vnsel vm10, $0x100000, v31;
	vm9 =	veq.f32 v27, v28  }
0xb3: {  	v25 =	vnsel vm9, $0x100000, v25;
	v24 =	vmin.u32 v24, v26  }
0xb4: {  	vm9 =	veq.s32 v60, v0;
	v52 =	vmin.u32 v24, v25  }
0xb5: {  	v22 =	vsel vm9, v30, v58;
	(xrf0) =	vmin.scan.msk.u32 $0xffff, v52  }
0xb6: {  	(xrf0) =	vmax.scan.msk.f32 $0xffff, v22;
	_ =	sdelay $0x4  }
0xb7: {  	v19, _, _ =	vpop (xrf0)  }
0xb8: {  	v53, _, _ =	vpop (xrf0)  }
0xb9: {  	v20 =	vbroadcast v20, $0xF;
	v24 =	vbroadcast v53, $0xF;
	_ =	sdelay $0x1  }
0xba: {  	v20 =	vsel vm9, v20, v17;
	vm9 =	veq.f32 v22, v24  }
0xbb: {  	v17 =	vnsel vm9, $0x100000, v20  }
0xbc: {  	(xrf0) =	vmin.scan.msk.u32 $0xffff, v17;
	_ =	sdelay $0x5  }
0xbd: {  	v17, _, _ =	vpop (xrf0)  }
0xbe: {  	v17 =	vbroadcast v17, $0xF;
	_ =	sdelay $0x1  }
0xbf: {  	v54 =	vand.u32 $0xF, v17  }
0xc0: {  	v55 =	vadd.s32 s21, v17;
	v56 =	vor.u32 v1, v54  }
0xc1: {  	v57 =	vor.u32 v3, v54;
	v58 =	vor.u32 v4, v54;
	v59 =	vadd.s32 s21, v56  }
0xc2: {  	v29 =	vmin.u32 v58, $0x23F;
	v60 =	vadd.s32 s21, v57  }
0xc3: {  	v32 =	vadd.s32 s21, v29;
	_ =	sdelay $0x1  }
0xc4: {  	[tilespmem:v55+s2+$0x0] =	vst.idx.msk $0x1, v2  }
0xc5: {  	v25 =	vld.idx.msk [tilespmem:v59+s2+$0x0], $0xffff  }
0xc6: {  	v61 =	vld.idx.msk [tilespmem:v60+s2+$0x0], $0xffff  }
0xc7: {  	v62 =	vld.idx.msk [tilespmem:v32+s2+$0x0], $0xffff;
	_ =	sdelay $0x4  }
0xc8: {  	v63 =	vmax.f32 v25, v61;
	v31 =	vnsel vm1, $0xC0000000, v62  }
0xc9: {  	v32 =	vmax.f32 v63, v31  }
0xca: {  	(xrf0) =	vmax.scan.msk.f32 $0xffff, v32;
	_ =	sdelay $0x5  }
0xcb: {  	v32, _, _ =	vpop (xrf0)  }
0xcc: {  	v32 =	vbroadcast v32, $0xF;
	_ =	sdelay $0x1  }
0xcd: {  	vm9 =	veq.f32 v25, v32;
	vm10 =	veq.f32 v61, v32  }
0xce: {  	v25 =	vnsel vm9, $0x100000, v56;
	v33 =	vnsel vm10, $0x100000, v57;
	vm9 =	veq.f32 v31, v32  }
0xcf: {  	v34 =	vnsel vm9, $0x100000, v29;
	v25 =	vmin.u32 v25, v33  }
0xd0: {  	vm9 =	veq.s32 v43, v0;
	v35 =	vmin.u32 v25, v34  }
0xd1: {  	v23 =	vsel vm9, v28, v41;
	(xrf0) =	vmin.scan.msk.u32 $0xffff, v35  }
0xd2: {  	(xrf0) =	vmax.scan.msk.f32 $0xffff, v23;
	_ =	sdelay $0x4  }
0xd3: {  	v21, _, _ =	vpop (xrf0)  }
0xd4: {  	v36, _, _ =	vpop (xrf0)  }
0xd5: {  	v19 =	vbroadcast v19, $0xF;
	v25 =	vbroadcast v36, $0xF;
	_ =	sdelay $0x1  }
0xd6: {  	v37 =	vsel vm9, v19, v18;
	vm9 =	veq.f32 v23, v25  }
0xd7: {  	v18 =	vnsel vm9, $0x100000, v37  }
0xd8: {  	(xrf0) =	vmin.scan.msk.u32 $0xffff, v18;
	_ =	sdelay $0x5  }
0xd9: {  	v18, _, _ =	vpop (xrf0)  }
0xda: {  	v18 =	vbroadcast v18, $0xF;
	_ =	sdelay $0x1  }
0xdb: {  	v38 =	vand.u32 $0xF, v18  }
0xdc: {  	v39 =	vadd.s32 s20, v18;
	v40 =	vor.u32 v4, v38;
	v41 =	vor.u32 v5, v38  }
0xdd: {  	v27 =	vmin.u32 v40, $0x23F;
	v42 =	vor.u32 v41, v12  }
0xde: {  	v28 =	vor.u32 v41, v13;
	v43 =	vand.u32 $0x3F, v27  }
0xdf: {  	v30 =	vor.u32 v43, v14;
	_ =	sdelay $0x1  }
0xe0: {  	[tilespmem:v39+s2+$0x0] =	vst.idx.msk $0x1, v2  }
0xe1: {  	v19 =	vld.idx.msk [tilespmem:v42+s2+$0x0], $0xffff  }
0xe2: {  	v28 =	vld.idx.msk [tilespmem:v28+s2+$0x0], $0xffff  }
0xe3: {  	v44 =	vld.idx.msk [tilespmem:v30+s2+$0x0], $0xffff;
	_ =	sdelay $0x4  }
0xe4: {  	v45 =	vmax.f32 v19, v28;
	v29 =	vnsel vm1, $0xC0000000, v44  }
0xe5: {  	v30 =	vmax.f32 v45, v29  }
0xe6: {  	(xrf0) =	vmax.scan.msk.f32 $0xffff, v30;
	_ =	sdelay $0x5  }
0xe7: {  	v30, _, _ =	vpop (xrf0)  }
0xe8: {  	v30 =	vbroadcast v30, $0xF  }
0xe9: {  	v46 =	vor.u32 v1, v38  }
0xea: {  	v33 =	vor.u32 v3, v38;
	vm9 =	veq.f32 v19, v30;
	vm10 =	veq.f32 v28, v30  }
0xeb: {  	v19 =	vnsel vm9, $0x100000, v46;
	v28 =	vnsel vm10, $0x100000, v33;
	vm9 =	veq.f32 v29, v30  }
0xec: {  	v27 =	vnsel vm9, $0x100000, v27;
	v19 =	vmin.u32 v19, v28  }
0xed: {  	vm9 =	veq.s32 v54, v0;
	v19 =	vmin.u32 v19, v27  }
0xee: {  	v22 =	vsel vm9, v32, v22;
	(xrf0) =	vmin.scan.msk.u32 $0xffff, v19  }
0xef: {  	(xrf0) =	vmax.scan.msk.f32 $0xffff, v22;
	_ =	sdelay $0x4  }
0xf0: {  	v47, _, _ =	vpop (xrf0)  }
0xf1: {  	v48, _, _ =	vpop (xrf0)  }
0xf2: {  	v21 =	vbroadcast v21, $0xF;
	v19 =	vbroadcast v48, $0xF;
	_ =	sdelay $0x1  }
0xf3: {  	v21 =	vsel vm9, v21, v20;
	vm9 =	veq.f32 v22, v19  }
0xf4: {  	v19 =	vnsel vm9, $0x100000, v21  }
0xf5: {  	(xrf0) =	vmin.scan.msk.u32 $0xffff, v19;
	_ =	sdelay $0x5  }
0xf6: {  	v19, _, _ =	vpop (xrf0)  }
0xf7: {  	v19 =	vbroadcast v19, $0xF;
	_ =	sdelay $0x1  }
0xf8: {  	v49 =	vand.u32 $0xF, v19  }
0xf9: {  	v50 =	vadd.s32 s21, v19;
	v51 =	vor.u32 v1, v49  }
0xfa: {  	v52 =	vor.u32 v3, v49;
	v53 =	vor.u32 v4, v49;
	v54 =	vadd.s32 s21, v51  }
0xfb: {  	v31 =	vmin.u32 v53, $0x23F;
	v55 =	vadd.s32 s21, v52  }
0xfc: {  	v34 =	vadd.s32 s21, v31;
	_ =	sdelay $0x1  }
0xfd: {  	[tilespmem:v50+s2+$0x0] =	vst.idx.msk $0x1, v2  }
0xfe: {  	v20 =	vld.idx.msk [tilespmem:v54+s2+$0x0], $0xffff  }
0xff: {  	v56 =	vld.idx.msk [tilespmem:v55+s2+$0x0], $0xffff  }
0x100: {  	v57 =	vld.idx.msk [tilespmem:v34+s2+$0x0], $0xffff;
	_ =	sdelay $0x4  }
0x101: {  	v58 =	vmax.f32 v20, v56;
	v33 =	vnsel vm1, $0xC0000000, v57  }
0x102: {  	v34 =	vmax.f32 v58, v33  }
0x103: {  	(xrf0) =	vmax.scan.msk.f32 $0xffff, v34;
	_ =	sdelay $0x5  }
0x104: {  	v34, _, _ =	vpop (xrf0)  }
0x105: {  	v34 =	vbroadcast v34, $0xF;
	_ =	sdelay $0x1  }
0x106: {  	vm9 =	veq.f32 v20, v34;
	vm10 =	veq.f32 v56, v34  }
0x107: {  	v20 =	vnsel vm9, $0x100000, v51;
	v59 =	vnsel vm10, $0x100000, v52;
	vm9 =	veq.f32 v33, v34  }
0x108: {  	v60 =	vnsel vm9, $0x100000, v31;
	v20 =	vmin.u32 v20, v59  }
0x109: {  	vm9 =	veq.s32 v38, v0;
	v20 =	vmin.u32 v20, v60  }
0x10a: {  	v23 =	vsel vm9, v30, v23;
	(xrf0) =	vmin.scan.msk.u32 $0xffff, v20  }
0x10b: {  	(xrf0) =	vmax.scan.msk.f32 $0xffff, v23;
	_ =	sdelay $0x4  }
0x10c: {  	v61, _, _ =	vpop (xrf0)  }
0x10d: {  	v62, _, _ =	vpop (xrf0)  }
0x10e: {  	v24 =	vbroadcast v47, $0xF;
	v20 =	vbroadcast v62, $0xF;
	_ =	sdelay $0x1  }
0x10f: {  	v24 =	vsel vm9, v24, v37;
	vm9 =	veq.f32 v23, v20  }
0x110: {  	v20 =	vnsel vm9, $0x100000, v24  }
0x111: {  	(xrf0) =	vmin.scan.msk.u32 $0xffff, v20;
	_ =	sdelay $0x5  }
0x112: {  	v20, _, _ =	vpop (xrf0)  }
0x113: {  	v20 =	vbroadcast v20, $0xF;
	_ =	sdelay $0x1  }
0x114: {  	v63 =	vand.u32 $0xF, v20  }
0x115: {  	v37 =	vadd.s32 s20, v20;
	v38 =	vor.u32 v4, v63;
	v39 =	vor.u32 v5, v63  }
0x116: {  	v29 =	vmin.u32 v38, $0x23F;
	v40 =	vor.u32 v39, v12  }
0x117: {  	v30 =	vor.u32 v39, v13;
	v41 =	vand.u32 $0x3F, v29  }
0x118: {  	v32 =	vor.u32 v41, v14;
	_ =	sdelay $0x1  }
0x119: {  	[tilespmem:v37+s2+$0x0] =	vst.idx.msk $0x1, v2  }
0x11a: {  	v28 =	vld.idx.msk [tilespmem:v40+s2+$0x0], $0xffff  }
0x11b: {  	v30 =	vld.idx.msk [tilespmem:v30+s2+$0x0], $0xffff  }
0x11c: {  	v42 =	vld.idx.msk [tilespmem:v32+s2+$0x0], $0xffff;
	_ =	sdelay $0x4  }
0x11d: {  	v43 =	vmax.f32 v28, v30;
	v31 =	vnsel vm1, $0xC0000000, v42  }
0x11e: {  	v32 =	vmax.f32 v43, v31  }
0x11f: {  	(xrf0) =	vmax.scan.msk.f32 $0xffff, v32;
	_ =	sdelay $0x5  }
0x120: {  	v32, _, _ =	vpop (xrf0)  }
0x121: {  	v32 =	vbroadcast v32, $0xF  }
0x122: {  	v44 =	vor.u32 v1, v63  }
0x123: {  	v35 =	vor.u32 v3, v63;
	vm9 =	veq.f32 v28, v32;
	vm10 =	veq.f32 v30, v32  }
0x124: {  	v28 =	vnsel vm9, $0x100000, v44;
	v30 =	vnsel vm10, $0x100000, v35;
	vm9 =	veq.f32 v31, v32  }
0x125: {  	v29 =	vnsel vm9, $0x100000, v29;
	v28 =	vmin.u32 v28, v30  }
0x126: {  	vm9 =	veq.s32 v49, v0;
	v45 =	vmin.u32 v28, v29  }
0x127: {  	v28 =	vsel vm9, v34, v22;
	(xrf0) =	vmin.scan.msk.u32 $0xffff, v45  }
0x128: {  	(xrf0) =	vmax.scan.msk.f32 $0xffff, v28;
	_ =	sdelay $0x4  }
0x129: {  	v46, _, _ =	vpop (xrf0)  }
0x12a: {  	v47, _, _ =	vpop (xrf0)  }
0x12b: {  	v25 =	vbroadcast v61, $0xF;
	v27 =	vbroadcast v47, $0xF;
	_ =	sdelay $0x1  }
0x12c: {  	v25 =	vsel vm9, v25, v21;
	vm9 =	veq.f32 v28, v27  }
0x12d: {  	v21 =	vnsel vm9, $0x100000, v25  }
0x12e: {  	(xrf0) =	vmin.scan.msk.u32 $0xffff, v21;
	_ =	sdelay $0x5  }
0x12f: {  	v21, _, _ =	vpop (xrf0)  }
0x130: {  	v21 =	vbroadcast v21, $0xF;
	_ =	sdelay $0x1  }
0x131: {  	v48 =	vand.u32 $0xF, v21  }
0x132: {  	v49 =	vadd.s32 s21, v21;
	v50 =	vor.u32 v1, v48  }
0x133: {  	v51 =	vor.u32 v3, v48;
	v52 =	vor.u32 v4, v48;
	v53 =	vadd.s32 s21, v50  }
0x134: {  	v33 =	vmin.u32 v52, $0x23F;
	v54 =	vadd.s32 s21, v51  }
0x135: {  	v36 =	vadd.s32 s21, v33;
	_ =	sdelay $0x1  }
0x136: {  	[tilespmem:v49+s2+$0x0] =	vst.idx.msk $0x1, v2  }
0x137: {  	v29 =	vld.idx.msk [tilespmem:v53+s2+$0x0], $0xffff  }
0x138: {  	v55 =	vld.idx.msk [tilespmem:v54+s2+$0x0], $0xffff  }
0x139: {  	v56 =	vld.idx.msk [tilespmem:v36+s2+$0x0], $0xffff;
	_ =	sdelay $0x4  }
0x13a: {  	v57 =	vmax.f32 v29, v55;
	v35 =	vnsel vm1, $0xC0000000, v56  }
0x13b: {  	v36 =	vmax.f32 v57, v35  }
0x13c: {  	(xrf0) =	vmax.scan.msk.f32 $0xffff, v36;
	_ =	sdelay $0x5  }
0x13d: {  	v36, _, _ =	vpop (xrf0)  }
0x13e: {  	v36 =	vbroadcast v36, $0xF;
	_ =	sdelay $0x1  }
0x13f: {  	vm9 =	veq.f32 v29, v36;
	vm10 =	veq.f32 v55, v36  }
0x140: {  	v29 =	vnsel vm9, $0x100000, v50;
	v58 =	vnsel vm10, $0x100000, v51;
	vm9 =	veq.f32 v35, v36  }
0x141: {  	v59 =	vnsel vm9, $0x100000, v33;
	v29 =	vmin.u32 v29, v58  }
0x142: {  	vm9 =	veq.s32 v63, v0;
	v60 =	vmin.u32 v29, v59  }
0x143: {  	v29 =	vsel vm9, v32, v23;
	(xrf0) =	vmin.scan.msk.u32 $0xffff, v60  }
0x144: {  	(xrf0) =	vmax.scan.msk.f32 $0xffff, v29;
	_ =	sdelay $0x4  }
0x145: {  	v61, _, _ =	vpop (xrf0)  }
0x146: {  	v62, _, _ =	vpop (xrf0)  }
0x147: {  	v22 =	vbroadcast v46, $0xF;
	v26 =	vbroadcast v62, $0xF;
	_ =	sdelay $0x1  }
0x148: {  	v24 =	vsel vm9, v22, v24;
	vm9 =	veq.f32 v29, v26  }
0x149: {  	v22 =	vnsel vm9, $0x100000, v24  }
0x14a: {  	(xrf0) =	vmin.scan.msk.u32 $0xffff, v22;
	_ =	sdelay $0x5  }
0x14b: {  	v22, _, _ =	vpop (xrf0)  }
0x14c: {  	v22 =	vbroadcast v22, $0xF;
	_ =	sdelay $0x1  }
0x14d: {  	v63 =	vand.u32 $0xF, v22  }
0x14e: {  	v39 =	vadd.s32 s20, v22;
	v40 =	vor.u32 v4, v63;
	v41 =	vor.u32 v5, v63  }
0x14f: {  	v31 =	vmin.u32 v40, $0x23F;
	v42 =	vor.u32 v41, v12  }
0x150: {  	v32 =	vor.u32 v41, v13;
	v43 =	vand.u32 $0x3F, v31  }
0x151: {  	v34 =	vor.u32 v43, v14;
	_ =	sdelay $0x1  }
0x152: {  	[tilespmem:v39+s2+$0x0] =	vst.idx.msk $0x1, v2  }
0x153: {  	v30 =	vld.idx.msk [tilespmem:v42+s2+$0x0], $0xffff  }
0x154: {  	v32 =	vld.idx.msk [tilespmem:v32+s2+$0x0], $0xffff  }
0x155: {  	v44 =	vld.idx.msk [tilespmem:v34+s2+$0x0], $0xffff;
	_ =	sdelay $0x4  }
0x156: {  	v45 =	vmax.f32 v30, v32;
	v33 =	vnsel vm1, $0xC0000000, v44  }
0x157: {  	v34 =	vmax.f32 v45, v33  }
0x158: {  	(xrf0) =	vmax.scan.msk.f32 $0xffff, v34;
	_ =	sdelay $0x5  }
0x159: {  	v34, _, _ =	vpop (xrf0)  }
0x15a: {  	v34 =	vbroadcast v34, $0xF  }
0x15b: {  	v46 =	vor.u32 v1, v63  }
0x15c: {  	v37 =	vor.u32 v3, v63;
	vm9 =	veq.f32 v30, v34;
	vm10 =	veq.f32 v32, v34  }
0x15d: {  	v30 =	vnsel vm9, $0x100000, v46;
	v32 =	vnsel vm10, $0x100000, v37;
	vm9 =	veq.f32 v33, v34  }
0x15e: {  	v31 =	vnsel vm9, $0x100000, v31;
	v30 =	vmin.u32 v30, v32  }
0x15f: {  	vm9 =	veq.s32 v48, v0;
	v47 =	vmin.u32 v30, v31  }
0x160: {  	v28 =	vsel vm9, v36, v28;
	(xrf0) =	vmin.scan.msk.u32 $0xffff, v47  }
0x161: {  	(xrf0) =	vmax.scan.msk.f32 $0xffff, v28;
	_ =	sdelay $0x4  }
0x162: {  	v27, _, _ =	vpop (xrf0)  }
0x163: {  	v48, _, _ =	vpop (xrf0)  }
0x164: {  	v23 =	vbroadcast v61, $0xF;
	v30 =	vbroadcast v48, $0xF;
	_ =	sdelay $0x1  }
0x165: {  	v25 =	vsel vm9, v23, v25;
	vm9 =	veq.f32 v28, v30  }
0x166: {  	v23 =	vnsel vm9, $0x100000, v25  }
0x167: {  	(xrf0) =	vmin.scan.msk.u32 $0xffff, v23;
	_ =	sdelay $0x5  }
0x168: {  	v23, _, _ =	vpop (xrf0)  }
0x169: {  	v23 =	vbroadcast v23, $0xF;
	_ =	sdelay $0x1  }
0x16a: {  	v49 =	vand.u32 $0xF, v23  }
0x16b: {  	v50 =	vadd.s32 s21, v23;
	v51 =	vor.u32 v1, v49  }
0x16c: {  	v52 =	vor.u32 v3, v49;
	v53 =	vor.u32 v4, v49;
	v54 =	vadd.s32 s21, v51  }
0x16d: {  	v35 =	vmin.u32 v53, $0x23F;
	v55 =	vadd.s32 s21, v52  }
0x16e: {  	v38 =	vadd.s32 s21, v35;
	_ =	sdelay $0x1  }
0x16f: {  	[tilespmem:v50+s2+$0x0] =	vst.idx.msk $0x1, v2  }
0x170: {  	v31 =	vld.idx.msk [tilespmem:v54+s2+$0x0], $0xffff  }
0x171: {  	v56 =	vld.idx.msk [tilespmem:v55+s2+$0x0], $0xffff  }
0x172: {  	v57 =	vld.idx.msk [tilespmem:v38+s2+$0x0], $0xffff;
	_ =	sdelay $0x4  }
0x173: {  	v58 =	vmax.f32 v31, v56;
	v37 =	vnsel vm1, $0xC0000000, v57  }
0x174: {  	v38 =	vmax.f32 v58, v37  }
0x175: {  	(xrf0) =	vmax.scan.msk.f32 $0xffff, v38;
	_ =	sdelay $0x5  }
0x176: {  	v38, _, _ =	vpop (xrf0)  }
0x177: {  	v38 =	vbroadcast v38, $0xF;
	_ =	sdelay $0x1  }
0x178: {  	vm9 =	veq.f32 v31, v38;
	vm10 =	veq.f32 v56, v38  }
0x179: {  	v31 =	vnsel vm9, $0x100000, v51;
	v59 =	vnsel vm10, $0x100000, v52;
	vm9 =	veq.f32 v37, v38  }
0x17a: {  	v60 =	vnsel vm9, $0x100000, v35;
	v31 =	vmin.u32 v31, v59  }
0x17b: {  	vm9 =	veq.s32 v63, v0;
	v61 =	vmin.u32 v31, v60  }
0x17c: {  	v29 =	vsel vm9, v34, v29;
	(xrf0) =	vmin.scan.msk.u32 $0xffff, v61  }
0x17d: {  	(xrf0) =	vmax.scan.msk.f32 $0xffff, v29;
	_ =	sdelay $0x4  }
0x17e: {  	v26, _, _ =	vpop (xrf0)  }
0x17f: {  	v62, _, _ =	vpop (xrf0)  }
0x180: {  	v27 =	vbroadcast v27, $0xF;
	v31 =	vbroadcast v62, $0xF;
	_ =	sdelay $0x1  }
0x181: {  	v24 =	vsel vm9, v27, v24;
	vm9 =	veq.f32 v29, v31  }
0x182: {  	v27 =	vnsel vm9, $0x100000, v24  }
0x183: {  	(xrf0) =	vmin.scan.msk.u32 $0xffff, v27;
	_ =	sdelay $0x5  }
0x184: {  	v27, _, _ =	vpop (xrf0)  }
0x185: {  	v27 =	vbroadcast v27, $0xF;
	_ =	sdelay $0x1  }
0x186: {  	v63 =	vand.u32 $0xF, v27  }
0x187: {  	v36 =	vadd.s32 s20, v27;
	v37 =	vor.u32 v4, v63;
	v39 =	vor.u32 v5, v63  }
0x188: {  	v33 =	vmin.u32 v37, $0x23F;
	v12 =	vor.u32 v39, v12  }
0x189: {  	v13 =	vor.u32 v39, v13;
	v40 =	vand.u32 $0x3F, v33  }
0x18a: {  	v14 =	vor.u32 v40, v14;
	_ =	sdelay $0x1  }
0x18b: {  	[tilespmem:v36+s2+$0x0] =	vst.idx.msk $0x1, v2  }
0x18c: {  	v12 =	vld.idx.msk [tilespmem:v12+s2+$0x0], $0xffff  }
0x18d: {  	v13 =	vld.idx.msk [tilespmem:v13+s2+$0x0], $0xffff  }
0x18e: {  	v14 =	vld.idx.msk [tilespmem:v14+s2+$0x0], $0xffff;
	_ =	sdelay $0x4  }
0x18f: {  	v41 =	vmax.f32 v12, v13;
	v14 =	vnsel vm1, $0xC0000000, v14  }
0x190: {  	v32 =	vmax.f32 v41, v14  }
0x191: {  	(xrf0) =	vmax.scan.msk.f32 $0xffff, v32;
	_ =	sdelay $0x5  }
0x192: {  	v32, _, _ =	vpop (xrf0)  }
0x193: {  	v32 =	vbroadcast v32, $0xF  }
0x194: {  	v42 =	vor.u32 v1, v63  }
0x195: {  	v43 =	vor.u32 v3, v63;
	vm9 =	veq.f32 v12, v32;
	vm10 =	veq.f32 v13, v32  }
0x196: {  	v12 =	vnsel vm9, $0x100000, v42;
	v13 =	vnsel vm10, $0x100000, v43;
	vm9 =	veq.f32 v14, v32  }
0x197: {  	v14 =	vnsel vm9, $0x100000, v33;
	v12 =	vmin.u32 v12, v13  }
0x198: {  	vm9 =	veq.s32 v49, v0;
	v12 =	vmin.u32 v12, v14  }
0x199: {  	v44 =	vsel vm9, v38, v28;
	(xrf0) =	vmin.scan.msk.u32 $0xffff, v12  }
0x19a: {  	(xrf0) =	vmax.scan.msk.f32 $0xffff, v44;
	_ =	sdelay $0x4  }
0x19b: {  	v12, _, _ =	vpop (xrf0)  }
0x19c: {  	v45, _, _ =	vpop (xrf0)  }
0x19d: {  	v26 =	vbroadcast v26, $0xF;
	v14 =	vbroadcast v45, $0xF;
	_ =	sdelay $0x1  }
0x19e: {  	v25 =	vsel vm9, v26, v25;
	vm9 =	veq.f32 v44, v14  }
0x19f: {  	v14 =	vnsel vm9, $0x100000, v25  }
0x1a0: {  	(xrf0) =	vmin.scan.msk.u32 $0xffff, v14;
	_ =	sdelay $0x5  }
0x1a1: {  	v14, _, _ =	vpop (xrf0)  }
0x1a2: {  	v14 =	vbroadcast v14, $0xF;
	_ =	sdelay $0x1  }
0x1a3: {  	v46 =	vand.u32 $0xF, v14  }
0x1a4: {  	v47 =	vadd.s32 s21, v14;
	v48 =	vor.u32 v1, v46  }
0x1a5: {  	v49 =	vor.u32 v3, v46;
	v50 =	vor.u32 v4, v46;
	v51 =	vadd.s32 s21, v48  }
0x1a6: {  	v34 =	vmin.u32 v50, $0x23F;
	v52 =	vadd.s32 s21, v49  }
0x1a7: {  	v53 =	vadd.s32 s21, v34;
	_ =	sdelay $0x1  }
0x1a8: {  	[tilespmem:v47+s2+$0x0] =	vst.idx.msk $0x1, v2  }
0x1a9: {  	v28 =	vld.idx.msk [tilespmem:v51+s2+$0x0], $0xffff  }
0x1aa: {  	v54 =	vld.idx.msk [tilespmem:v52+s2+$0x0], $0xffff  }
0x1ab: {  	v55 =	vld.idx.msk [tilespmem:v53+s2+$0x0], $0xffff;
	_ =	sdelay $0x4  }
0x1ac: {  	v56 =	vmax.f32 v28, v54;
	v36 =	vnsel vm1, $0xC0000000, v55  }
0x1ad: {  	v37 =	vmax.f32 v56, v36  }
0x1ae: {  	(xrf0) =	vmax.scan.msk.f32 $0xffff, v37;
	_ =	sdelay $0x5  }
0x1af: {  	v37, _, _ =	vpop (xrf0)  }
0x1b0: {  	v37 =	vbroadcast v37, $0xF;
	_ =	sdelay $0x1  }
0x1b1: {  	vm9 =	veq.f32 v28, v37;
	vm10 =	veq.f32 v54, v37  }
0x1b2: {  	v28 =	vnsel vm9, $0x100000, v48;
	vm9 =	veq.f32 v36, v37;
	v57 =	vnsel vm10, $0x100000, v49  }
0x1b3: {  	v28 =	vmin.u32 v28, v57;
	v58 =	vnsel vm9, $0x100000, v34  }
0x1b4: {  	vm9 =	veq.s32 v63, v0;
	v28 =	vmin.u32 v28, v58  }
0x1b5: {  	v29 =	vsel vm9, v32, v29;
	(xrf0) =	vmin.scan.msk.u32 $0xffff, v28  }
0x1b6: {  	(xrf0) =	vmax.scan.msk.f32 $0xffff, v29;
	_ =	sdelay $0x4  }
0x1b7: {  	v28, _, _ =	vpop (xrf0)  }
0x1b8: {  	v59, _, _ =	vpop (xrf0)  }
0x1b9: {  	v12 =	vbroadcast v12, $0xF;
	v30 =	vbroadcast v59, $0xF;
	_ =	sdelay $0x1  }
0x1ba: {  	v12 =	vsel vm9, v12, v24;
	vm10 =	veq.f32 v29, v30  }
0x1bb: {  	vm9 =	veq.s32 v46, v0;
	v12 =	vnsel vm10, $0x100000, v12  }
0x1bc: {  	v13 =	vsel vm9, v37, v44;
	(xrf0) =	vmin.scan.msk.u32 $0xffff, v12  }
0x1bd: {  	(xrf0) =	vmax.scan.msk.f32 $0xffff, v13;
	_ =	sdelay $0x4  }
0x1be: {  	v12, _, _ =	vpop (xrf0)  }
0x1bf: {  	v60, _, _ =	vpop (xrf0)  }
0x1c0: {  	v61 =	vbroadcast v28, $0xF;
	v24 =	vbroadcast v60, $0xF;
	_ =	sdelay $0x1  }
0x1c1: {  	v62 =	vsel vm9, v61, v25;
	vm10 =	veq.f32 v13, v24  }
0x1c2: {  	v13 =	vnsel vm10, $0x100000, v62  }
0x1c3: {  	(xrf0) =	vmin.scan.msk.u32 $0xffff, v13;
	_ =	sdelay $0x5  }
0x1c4: {  	v12 =	vbroadcast v12, $0xF;
	v13, _, _ =	vpop (xrf0)  }
0x1c5: {  	v9 =	vnsel vm0, $0x0, v9;
	v13 =	vbroadcast v13, $0xF  }
0x1c6: {  	v10 =	vnsel vm0, $0x0, v10;
	v9 =	vsel vm2, v9, v11;
	v11 =	vadd.s32 s20, v12  }
0x1c7: {  	v10 =	vsel vm2, v10, v15;
	v9 =	vsel vm3, v9, v16;
	v63 =	vadd.s32 s21, v13  }
0x1c8: {  	s31 =	sshll.u32 s19, $0x5;
	s19 =	sadd.s32 $0x1, s19;
	v10 =	vsel vm3, v10, v17;
	v9 =	vsel vm4, v9, v18  }
0x1c9: {  	p1 =	sne.s32 s19, $0x3;
	v10 =	vsel vm4, v10, v19;
	v9 =	vsel vm5, v9, v20  }
.Ltmp3:
0x1ca: {  	v10 =	vsel vm5, v10, v21;
	v9 =	vsel vm6, v9, v22;
	(pc) =	sbr.rel @p1 .LBB2_2-.Ltmp3, $4  }
0x1cb: {  	v10 =	vsel vm6, v10, v23;
	v9 =	vsel vm7, v9, v27;
	[tilespmem:v11+s2+$0x0] =	vst.idx.msk $0x1, v2  }
0x1cc: {  	v10 =	vsel vm7, v10, v14;
	v9 =	vsel vm8, v9, v12;
	s20 =	sand.u32 $0x3FFFFFE0, s31;
	[tilespmem:v63+s2+$0x0] =	vst.idx.msk $0x1, v2  }
0x1cd: {  	v10 =	vsel vm8, v10, v13;
	[tilespmem:s20+$0xD80] =	vst v9  }
0x1ce: {  	s17 =	sadd.s32 $0x480, s17;
	s18 =	sadd.s32 $0x480, s18;
	[tilespmem:s20+$0xD90] =	vst v10  }
0x1cf: {  	[spmem:s3] =	stream.linear.scatter [tilespmem:s10], [sflag:$0x1], $0x60, $0x38;
	[tilespmem:$0x16E0] =	vst v63  }
.Ltmp4:
0x1d0: {  	_ =	swait.ge [sflag:s9], $0x60;
	(pc) =	sbr.rel @p0 .LBB2_13-.Ltmp4, $3  }
0x1d1: {  	[sflag:s9] =	ssyncset.done $0x0  }
0x1d2: {  	[sflag:s9] =	ssyncadd.s32 $0xFFFFFFA0  }
0x1d3: {  	[bflag:$0x0] =	sbarrier.arrive $0xFFFF;
	_ =	sdelay $0x1  }
0x1d4: {  	[tilespmem:s11], [sflag:$0x1] =	stream.linear.gather [spmem:s5], $0x60, $0x38;
	[tilespmem:$0x16E0] =	vst v63  }
0x1d5: {  	_ =	swait.ge [sflag:s9], $0x60  }
0x1d6: {  	[sflag:s9] =	ssyncset.done $0x0  }
0x1d7: {  	[sflag:s9] =	ssyncadd.s32 $0xFFFFFFA0  }
0x1d8: {  	[tilespmem:$0xE80] =	vst v6  }
0x1d9: {  	[tilespmem:$0xE90] =	vst v6  }
0x1da: {  	[tilespmem:$0xEA0] =	vst v6  }
0x1db: {  	[tilespmem:$0xEB0] =	vst v6  }
0x1dc: {  	[tilespmem:$0xEC0] =	vst v6  }
0x1dd: {  	[tilespmem:$0xED0] =	vst v6  }
0x1de: {  	[tilespmem:$0xEE0] =	vst v6  }
0x1df: {  	[tilespmem:$0xEF0] =	vst v6  }
0x1e0: {  	[tilespmem:$0xF00] =	vst v6  }
0x1e1: {  	[tilespmem:$0xF10] =	vst v6  }
0x1e2: {  	[tilespmem:$0xF20] =	vst v6  }
0x1e3: {  	[tilespmem:$0xF30] =	vst v6  }
0x1e4: {  	[tilespmem:$0xF40] =	vst v6  }
0x1e5: {  	[tilespmem:$0xF50] =	vst v6  }
0x1e6: {  	[tilespmem:$0xF60] =	vst v6  }
0x1e7: {  	[tilespmem:$0xF70] =	vst v6  }
0x1e8: {  	[tilespmem:$0xF80] =	vst v6  }
0x1e9: {  	[tilespmem:$0xF90] =	vst v6  }
0x1ea: {  	[tilespmem:$0xFA0] =	vst v6  }
0x1eb: {  	[tilespmem:$0xFB0] =	vst v6  }
0x1ec: {  	[tilespmem:$0xFC0] =	vst v6  }
0x1ed: {  	[tilespmem:$0xFD0] =	vst v6  }
0x1ee: {  	[tilespmem:$0xFE0] =	vst v6  }
0x1ef: {  	[tilespmem:$0xFF0] =	vst v6  }
0x1f0: {  	[tilespmem:$0x1000] =	vst v6  }
0x1f1: {  	[tilespmem:$0x1010] =	vst v6  }
0x1f2: {  	[tilespmem:$0x1020] =	vst v6  }
0x1f3: {  	[tilespmem:$0x1030] =	vst v6  }
0x1f4: {  	[tilespmem:$0x1040] =	vst v6;
	v9 =	vld [tilespmem:$0xD80]  }
0x1f5: {  	[tilespmem:$0x1050] =	vst v6  }
0x1f6: {  	[tilespmem:$0x1060] =	vst v6  }
0x1f7: {  	[tilespmem:$0x1070] =	vst v6  }
0x1f8: {  	[tilespmem:$0x1080] =	vst v6  }
0x1f9: {  	[tilespmem:$0x1090] =	vst v6;
	v9 =	vadd.s32 $0x1, v9  }
0x1fa: {  	[tilespmem:$0x10A0] =	vst v6  }
0x1fb: {  	[tilespmem:$0x10B0] =	vst v6  }
0x1fc: {  	[tilespmem:$0x10C0] =	vst v6  }
0x1fd: {  	s17 =	simm.s32 $0xE80;
	[tilespmem:$0x10D0] =	vst v6  }
0x1fe: {  	[tilespmem:v9+s17+$0x0] =	vst.idx.add.f32.msk $0xff, v7  }
0x1ff: {  	v9 =	vld [tilespmem:$0xE00];
	_ =	sdelay $0x4  }
0x200: {  	v9 =	vadd.s32 $0x1, v9;
	_ =	sdelay $0x4  }
0x201: {  	[tilespmem:v9+s17+$0x0] =	vst.idx.add.f32.msk $0xff, v7  }
0x202: {  	v9 =	vld [tilespmem:$0xD90];
	_ =	sdelay $0x4  }
0x203: {  	v9 =	vadd.s32 $0x1, v9;
	_ =	sdelay $0x4  }
0x204: {  	[tilespmem:v9+s17+$0x0] =	vst.idx.add.f32.msk $0xff, v7  }
0x205: {  	v9 =	vld [tilespmem:$0xE10];
	_ =	sdelay $0x4  }
0x206: {  	v9 =	vadd.s32 $0x1, v9;
	_ =	sdelay $0x4  }
0x207: {  	[tilespmem:v9+s17+$0x0] =	vst.idx.add.f32.msk $0xff, v7  }
0x208: {  	v9 =	vld [tilespmem:$0xDA0];
	_ =	sdelay $0x4  }
0x209: {  	v9 =	vadd.s32 $0x1, v9;
	_ =	sdelay $0x4  }
0x20a: {  	[tilespmem:v9+s17+$0x0] =	vst.idx.add.f32.msk $0xff, v7  }
0x20b: {  	v9 =	vld [tilespmem:$0xE20];
	_ =	sdelay $0x4  }
0x20c: {  	v9 =	vadd.s32 $0x1, v9;
	_ =	sdelay $0x4  }
0x20d: {  	[tilespmem:v9+s17+$0x0] =	vst.idx.add.f32.msk $0xff, v7  }
0x20e: {  	v9 =	vld [tilespmem:$0xDB0];
	_ =	sdelay $0x4  }
0x20f: {  	v9 =	vadd.s32 $0x1, v9;
	_ =	sdelay $0x4  }
0x210: {  	[tilespmem:v9+s17+$0x0] =	vst.idx.add.f32.msk $0xff, v7  }
0x211: {  	v9 =	vld [tilespmem:$0xE30];
	_ =	sdelay $0x4  }
0x212: {  	v9 =	vadd.s32 $0x1, v9;
	_ =	sdelay $0x4  }
0x213: {  	[tilespmem:v9+s17+$0x0] =	vst.idx.add.f32.msk $0xff, v7  }
0x214: {  	v9 =	vld [tilespmem:$0xDC0];
	_ =	sdelay $0x4  }
0x215: {  	v9 =	vadd.s32 $0x1, v9;
	_ =	sdelay $0x4  }
0x216: {  	[tilespmem:v9+s17+$0x0] =	vst.idx.add.f32.msk $0xff, v7  }
0x217: {  	v9 =	vld [tilespmem:$0xE40];
	_ =	sdelay $0x4  }
0x218: {  	v9 =	vadd.s32 $0x1, v9;
	_ =	sdelay $0x4  }
0x219: {  	[tilespmem:v9+s17+$0x0] =	vst.idx.add.f32.msk $0xff, v7  }
0x21a: {  	v9 =	vld [tilespmem:$0xDD0];
	_ =	sdelay $0x4  }
0x21b: {  	v9 =	vadd.s32 $0x1, v9;
	_ =	sdelay $0x4  }
0x21c: {  	[tilespmem:v9+s17+$0x0] =	vst.idx.add.f32.msk $0xff, v7  }
0x21d: {  	v9 =	vld [tilespmem:$0xE50];
	_ =	sdelay $0x4  }
0x21e: {  	s18 =	simm.s32 $0x1;
	v9 =	vadd.s32 $0x1, v9  }
0x21f: {  	v10 =	vadd.s32 s18, v0;
	_ =	sdelay $0x2  }
0x220: {  	s28 =	simm.s32 $0x2  }
0x221: {  	[tilespmem:v9+s17+$0x0] =	vst.idx.add.f32.msk $0xff, v7;
	v9 =	vadd.s32 s28, v0  }
0x222: {  	v10 =	vld.idx.msk [tilespmem:v10+s12+$0x0], $0xffff;
	_ =	sdelay $0x1  }
0x223: {  	v11 =	vld [tilespmem:s17+$0x0];
	_ =	sdelay $0x1  }
0x224: {  	v9 =	vld.idx.msk [tilespmem:v9+s12+$0x0], $0xffff  }
0x225: {  	v10 =	vadd.f32 v10, v10;
	_ =	sdelay $0x1  }
0x226: {  	v10 =	vadd.f32 v10, v11;
	_ =	sdelay $0x1  }
0x227: {  	v10 =	vadd.f32 v10, v9  }
0x228: {  	s29 =	simm.s32 $0x0  }
0x229: {  	v11 =	vmov s29;
	v9 =	vtrunc.f32 v10  }
0x22a: {  	s30 =	simm.s32 $0x11;
	v11 =	vsub.s32 $0x0, v11;
	v9 =	vcvt.f32.s32 v9  }
0x22b: {  	v13 =	vmul.u32 $0xFFFFFFFF, v0;
	v12 =	vadd.s32 s30, v0;
	v11 =	vbroadcast v11, $0x0  }
0x22c: {  	v9 =	vshll.u32 v9, $0xA  }
0x22d: {  	s31 =	simm.s32 $0x1100;
	v11 =	vadd.s32 v9, v11;
	v9 =	vadd.s32 $0x3FF, v13  }
0x22e: {  	s19 =	simm.s32 $0x12;
	s18 =	simm.s32 $0x1380;
	[tilespmem:s31+$0x0] =	vst v10;
	v10 =	vadd.s32 v9, v11  }
0x22f: {  	v11 =	vadd.s32 s19, v0;
	[tilespmem:s18+$0x0] =	vst v10  }
0x230: {  	v10 =	vld.idx.msk [tilespmem:v12+s12+$0x0], $0xffff  }
0x231: {  	s19 =	simm.s32 $0xE90  }
0x232: {  	v62 =	vld [tilespmem:s19+$0x0];
	_ =	sdelay $0x1  }
0x233: {  	v11 =	vld.idx.msk [tilespmem:v11+s12+$0x0], $0xffff  }
0x234: {  	v10 =	vadd.f32 v10, v10;
	_ =	sdelay $0x1  }
0x235: {  	v10 =	vadd.f32 v10, v62;
	_ =	sdelay $0x1  }
0x236: {  	v10 =	vadd.f32 v10, v11  }
0x237: {  	s20 =	simm.s32 $0x10  }
0x238: {  	v63 =	vmov s20;
	s17 =	simm.s32 $0x1110;
	v11 =	vtrunc.f32 v10  }
0x239: {  	s22 =	simm.s32 $0x21;
	s21 =	simm.s32 $0x32;
	s20 =	simm.s32 $0x22;
	[tilespmem:s17+$0x0] =	vst v10;
	v10 =	vcvt.f32.s32 v11;
	v11 =	vsub.s32 $0x0, v63  }
.LBB2_7:
0x23a: {  	p1 =	sne.s32 s21, $0x232;
	v12 =	vadd.s32 s22, v0;
	v11 =	vbroadcast v11, $0x0  }
0x23b: {  	v10 =	vshll.u32 v10, $0xA  }
0x23c: {  	v10 =	vadd.s32 v10, v11  }
0x23d: {  	s18 =	sadd.s32 $0x10, s18;
	v10 =	vadd.s32 v9, v10  }
0x23e: {  	v11 =	vadd.s32 s20, v0;
	[tilespmem:s18+$0x0] =	vst v10  }
0x23f: {  	v10 =	vld.idx.msk [tilespmem:v12+s12+$0x0], $0xffff;
	_ =	sdelay $0x1  }
0x240: {  	s19 =	sadd.s32 $0x10, s19  }
0x241: {  	v12 =	vld [tilespmem:s19+$0x0]  }
0x242: {  	v11 =	vld.idx.msk [tilespmem:v11+s12+$0x0], $0xffff;
	_ =	sdelay $0x1  }
0x243: {  	v10 =	vadd.f32 v10, v10;
	_ =	sdelay $0x1  }
0x244: {  	v10 =	vadd.f32 v10, v12  }
.Ltmp5:
0x245: {  	(pc) =	sbr.rel @p1 .LBB2_7-.Ltmp5, $4  }
0x246: {  	v10 =	vadd.f32 v10, v11  }
0x247: {  	s22 =	sadd.s32 $0xFFFFFFFE, s20;
	s17 =	sadd.s32 $0x10, s17;
	s20 =	smov.u32 s21  }
0x248: {  	v11 =	vmov s22;
	[tilespmem:s17+$0x0] =	vst v10;
	v10 =	vtrunc.f32 v10  }
0x249: {  	s21 =	sadd.s32 $0x10, s21;
	s22 =	sadd.s32 $0xFFFFFFFF, s20;
	v11 =	vsub.s32 $0x0, v11;
	v10 =	vcvt.f32.s32 v10  }
0x24a: {  	v12 =	vadd.s32 s22, v0;
	v11 =	vbroadcast v11, $0x0  }
0x24b: {  	v10 =	vshll.u32 v10, $0xA  }
0x24c: {  	v10 =	vadd.s32 v10, v11  }
0x24d: {  	s18 =	sadd.s32 $0x10, s18;
	v10 =	vadd.s32 v9, v10  }
0x24e: {  	v11 =	vadd.s32 s20, v0;
	[tilespmem:s18+$0x0] =	vst v10  }
0x24f: {  	v10 =	vld.idx.msk [tilespmem:v12+s12+$0x0], $0xffff  }
0x250: {  	s19 =	sadd.s32 $0x10, s19  }
0x251: {  	v62 =	vld [tilespmem:s19+$0x0];
	_ =	sdelay $0x1  }
0x252: {  	v11 =	vld.idx.msk [tilespmem:v11+s12+$0x0], $0xffff  }
0x253: {  	v10 =	vadd.f32 v10, v10;
	_ =	sdelay $0x1  }
0x254: {  	v10 =	vadd.f32 v10, v62;
	_ =	sdelay $0x1  }
0x255: {  	v10 =	vadd.f32 v10, v11  }
0x256: {  	s29 =	sadd.s32 $0xFFFFFFFE, s20  }
0x257: {  	v63 =	vmov s29;
	v11 =	vtrunc.f32 v10  }
0x258: {  	v12 =	vsub.s32 $0x0, v63;
	v11 =	vcvt.f32.s32 v11  }
0x259: {  	v12 =	vbroadcast v12, $0x0  }
0x25a: {  	v11 =	vshll.u32 v11, $0xA  }
0x25b: {  	s17 =	sadd.s32 $0x10, s17;
	v11 =	vadd.s32 v11, v12  }
0x25c: {  	s30 =	sadd.s32 $0x10, s18;
	[tilespmem:s17+$0x0] =	vst v10;
	v9 =	vadd.s32 v9, v11  }
0x25d: {  	[tilespmem:s30+$0x0] =	vst v9;
	v9 =	vimm.s32 $0x0  }
0x25e: {  	s31 =	simm.s32 $0x0;
	[tilespmem:$0x15C0] =	vst v9  }
0x25f: {  	s18 =	simm.s32 $0x40;
	s17 =	simm.s32 $0x0;
	v10 =	vimm.s32 $0x0;
	v11 =	vld [tilespmem:s31+$0x1380]  }
.LBB2_9:
0x260: {  	p1 =	sne.s32 s18, $0x8C0  }
.Ltmp6:
0x261: {  	_ = 	snop;
	(pc) =	sbr.rel @p1 .LBB2_9-.Ltmp6, $3  }
0x262: {  	_ =	sdelay $0x1  }
0x263: {  	s19 =	sshra.s32 s18, $0x2;
	s18 =	sadd.s32 $0x40, s18;
	vm9 =	vgt.s32 v10, v11  }
0x264: {  	v10 =	vsel vm9, v10, v11;
	v11 =	vld [tilespmem:s19+$0x1380]  }
0x265: {  	_ =	sdelay $0x3  }
0x266: {  	vm9 =	vgt.s32 v10, v11  }
0x267: {  	v10 =	vsel vm9, v10, v11  }
0x268: {  	(xrf0) =	vmax.scan.msk.u32 $0xffff, v10  }
0x269: {  	s18 =	simm.s32 $0x1  }
.LBB2_11:
0x26a: {  	p1 =	sne.s32 s18, $0xB;
	_ =	sdelay $0x3  }
0x26b: {  	v11, _, _ =	vpop (xrf0)  }
0x26c: {  	v11 =	vandn.u32 $0x3FF, v11  }
0x26d: {  	v11 =	vbroadcast v11, $0xF  }
0x26e: {  	v12 =	vmov s17;
	s17 =	smov.u32 s18  }
0x26f: {  	vm9 =	veq.s32 v12, v0;
	v12 =	vadd.s32 $0x1, v11;
	v13 =	vand.u32 $0xF, v11  }
0x270: {  	v9 =	vsel vm9, v12, v9;
	v12 =	vor.u32 v1, v13  }
0x271: {  	v14 =	vor.u32 v3, v13  }
0x272: {  	v15 =	vor.u32 v4, v13  }
0x273: {  	[tilespmem:v11+s13+$0x0] =	vst.idx.msk $0x1, v8;
	v11 =	vmin.u32 v15, $0x24F;
	_ =	sdelay $0x1  }
0x274: {  	v12 =	vld.idx.msk [tilespmem:v12+s13+$0x0], $0xffff  }
0x275: {  	v14 =	vld.idx.msk [tilespmem:v14+s13+$0x0], $0xffff;
	_ =	sdelay $0x1  }
0x276: {  	v11 =	vld.idx.msk [tilespmem:v11+s13+$0x0], $0xffff;
	_ =	sdelay $0x3  }
0x277: {  	vm9 =	vgt.s32 v12, v14  }
0x278: {  	v12 =	vsel vm9, v12, v14  }
0x279: {  	vm9 =	vgt.s32 v12, v11  }
0x27a: {  	v11 =	vsel vm9, v12, v11  }
0x27b: {  	(xrf0) =	vmax.scan.msk.u32 $0xffff, v11;
	_ =	sdelay $0x5  }
0x27c: {  	v11, _, _ =	vpop (xrf0)  }
.Ltmp7:
0x27d: {  	v11 =	vbroadcast v11, $0xF;
	(pc) =	sbr.rel @p1 .LBB2_11-.Ltmp7, $4  }
0x27e: {  	vm9 =	veq.s32 v13, v0  }
0x27f: {  	v10 =	vsel vm9, v11, v10  }
0x280: {  	(xrf0) =	vmax.scan.msk.u32 $0xffff, v10  }
0x281: {  	s18 =	sadd.s32 $0x1, s18  }
0x282: {  	_ =	sdelay $0x3  }
0x283: {  	v10, _, _ =	vpop (xrf0)  }
0x284: {  	v10 =	vandn.u32 $0x3FF, v10  }
0x285: {  	v10 =	vbroadcast v10, $0xF;
	_ =	sdelay $0x1  }
0x286: {  	v11 =	vand.u32 $0xF, v10  }
0x287: {  	v12 =	vor.u32 v1, v11  }
0x288: {  	v13 =	vor.u32 v3, v11  }
0x289: {  	v11 =	vor.u32 v4, v11  }
0x28a: {  	v11 =	vmin.u32 v11, $0x24F  }
0x28b: {  	[tilespmem:v10+s13+$0x0] =	vst.idx.msk $0x1, v8  }
0x28c: {  	v12 =	vld.idx.msk [tilespmem:v12+s13+$0x0], $0xffff  }
0x28d: {  	v13 =	vld.idx.msk [tilespmem:v13+s13+$0x0], $0xffff;
	_ =	sdelay $0x1  }
0x28e: {  	v11 =	vld.idx.msk [tilespmem:v11+s13+$0x0], $0xffff;
	_ =	sdelay $0x2  }
0x28f: {  	vm9 =	vgt.s32 v12, v13  }
0x290: {  	v12 =	vsel vm9, v12, v13  }
0x291: {  	vm9 =	vgt.s32 v12, v11  }
0x292: {  	v11 =	vsel vm9, v12, v11  }
0x293: {  	(xrf0) =	vmax.scan.msk.u32 $0xffff, v11  }
0x294: {  	v11 =	vmov s17  }
0x295: {  	v10 =	vadd.s32 $0x1, v10;
	vm9 =	veq.s32 v11, v0  }
0x296: {  	v9 =	vsel vm9, v10, v9;
	_ =	sdelay $0x1  }
0x297: {  	[tilespmem:$0x1600] =	vst v9  }
0x298: {  	[hbm4b:s6+s2] =	stream.linear.scatter [tilespmem:s14], [sflag:$0x1], $0x10, $0x38;
	v9, _, _ =	vpop (xrf0);
	[tilespmem:$0x16E0] =	vst v63  }
0x299: {  	_ =	swait.ge [sflag:s9], $0x10  }
0x29a: {  	[sflag:s9] =	ssyncset.done $0x0  }
.Ltmp8:
0x29b: {  	[sflag:s9] =	ssyncadd.s32 $0xFFFFFFF0;
	(pc) =	sbr.rel .LBB2_13-.Ltmp8, $4  }
0x29c: {  	[hbm4b:s7+s2] =	stream.linear.scatter [tilespmem:s15], [sflag:$0x1], $0x240, $0x38;
	[tilespmem:$0x16E0] =	vst v63  }
0x29d: {  	_ =	swait.ge [sflag:s9], $0x240  }
0x29e: {  	[sflag:s9] =	ssyncset.done $0x0  }
0x29f: {  	[sflag:s9] =	ssyncadd.s32 $0xFFFFFDC0  }
.LBB2_14:
0x2a0: {  	_ =	sfence.sel $0x180000  }
0x2a1: {  	[bflag:$0x0] =	sbarrier.arrive $0xFFFF  }
0x2a2: {  	p0 =	sne.s32 s0, $0x0;
	_ =	strace $0x90000047  }
0x2a3: {  	s0 =	sadd.s32 @!p0 $0x100000, s1;
	[bflag:$0x2] =	sbarrier.arrive $0xFFFF  }
0x2a4: {  	[sflag:s0] =	ssyncadd.tile.s32 @!p0 $0x1;
	_ =	shalt  }
.Lfunc_end2:
_tile_overlayer_lowered:
.L_overlay_start_2:
0x2a5: {  	(tag) =	ssettag $0x2  }
0x2a6: {  	s0 =	rddreg [dreg:$0x0];
	s2 =	stileid.u32  }
0x2a7: {  	s1 =	rddreg [dreg:$0x1];
	p0 =	sne.s32 s2, $0x0  }
0x2a8: {  	s3 =	rddreg [dreg:$0x2];
	[bflag:$0x3] =	sbarrier.arrive $0xFFFF;
	s2 =	simm.s32 @!p0 $0x1C01  }
0x2a9: {  	[timem:s3], [sflag:s2] =	dma.local @!p0 [hbm:s0], s1  }
0x2aa: {  	s0 =	simm.s32 @!p0 $0x1  }
0x2ab: {  	_ =	swait.ge @!p0 [sflag:s0], s1  }
0x2ac: {  	s1 =	ssub.s32 @!p0 $0x0, s1;
	[sflag:s0] =	ssyncset.done @!p0 $0x0  }
0x2ad: {  	[sflag:s0] =	ssyncadd.s32 @!p0 s1  }
0x2ae: {  	[bflag:$0x3] =	sbarrier.arrive $0xFFFF  }
0x2af: {  	_ =	shalt  }

</sc_bundles>
